<compile_context>
chip_gen: v7x
topology: tpu7x:2x2x1
jax: 0.10.2.dev20260603
libtpu: 0.0.44.dev20260713+nightly
codegen_flags: <defaults>
</compile_context>

<pallas_src>
import functools

import jax
import jax.numpy as jnp
from jax import lax
from jax.experimental import pallas as pl
from jax.experimental.pallas import tpu as pltpu
from jax.experimental.pallas import tpu_sc as plsc

_NC = 2
_NS = 16
_CH = 128


def _build(n, V, D, dtype):
    NW = _NC * _NS
    n_chunks = n // _CH
    cpt = n_chunks // NW
    G = 5
    n_groups = cpt // G
    RG = G * _CH
    NB = 4

    mesh = plsc.VectorSubcoreMesh(
        core_axis_name="c", subcore_axis_name="s",
        num_cores=_NC, num_subcores=_NS)

    @functools.partial(
        pl.kernel,
        out_type=jax.ShapeDtypeStruct((n, D), dtype),
        mesh=mesh,
        scratch_types=[
            pltpu.VMEM((cpt, _CH), jnp.int32),
            pltpu.VMEM((NB, RG, D), dtype),
            pltpu.SemaphoreType.DMA,
            pltpu.SemaphoreType.DMA,
            pltpu.SemaphoreType.DMA,
            pltpu.SemaphoreType.DMA,
            pltpu.SemaphoreType.DMA,
            pltpu.SemaphoreType.DMA,
            pltpu.SemaphoreType.DMA,
            pltpu.SemaphoreType.DMA,
        ],
        compiler_params=pltpu.CompilerParams(use_tc_tiling_on_sc=False),
    )
    def emb(idx_hbm, table_hbm, out_hbm, idx_v, rows,
            g0s, g1s, g2s, g3s, o0s, o1s, o2s, o3s):
        gsems = (g0s, g1s, g2s, g3s)
        osems = (o0s, o1s, o2s, o3s)
        wid = lax.axis_index("s") * _NC + lax.axis_index("c")
        chunk0 = wid * cpt
        out0 = wid * (cpt * _CH)
        pltpu.sync_copy(idx_hbm.at[pl.ds(chunk0, cpt)], idx_v)

        def fire(g, b):
            for j in range(G):
                pltpu.async_copy(
                    table_hbm.at[idx_v.at[g * G + j]],
                    rows.at[b, pl.ds(j * _CH, _CH)],
                    gsems[b],
                )

        def drain(b):
            pltpu.make_async_copy(
                table_hbm.at[pl.ds(0, RG)], rows.at[b], gsems[b]
            ).wait()

        def scatter(g, b):
            pltpu.async_copy(
                rows.at[b], out_hbm.at[pl.ds(out0 + g * RG, RG)], osems[b])

        def scatter_wait(b):
            pltpu.make_async_copy(
                rows.at[b], out_hbm.at[pl.ds(0, RG)], osems[b]
            ).wait()

        fire(0, 0)
        fire(1, 1)
        for g in (0, 1):
            drain(g)
            scatter(g, g)
            fire(g + 2, g + 2)

        @pl.loop(2, n_groups - 2, step=NB)
        def _steady(gbase):
            for j in range(NB):
                b = (2 + j) % NB
                drain(b)
                scatter(gbase + j, b)
                nb = j % NB
                scatter_wait(nb)
                fire(gbase + j + 2, nb)

        for g in (n_groups - 2, n_groups - 1):
            b = g % NB
            drain(b)
            scatter(g, b)
        for b in range(NB):
            scatter_wait(b)

    return emb


def kernel(x, table):
    B, H = x.shape
    V, D = table.shape
    n = B * H
    x2d = x.astype(jnp.int32).reshape(n // _CH, _CH)
    out = _build(n, V, D, table.dtype)(x2d, table)
    return out.reshape(B, H, D)

# --- scband reference (transcript-rebuilt; emitter-appended) ---
"""Pipeline reference for scband-input-embedding-9448928051273 (READ-ONLY COPY).

The authoritative reference and input builder live on the scoring server;
editing this copy changes nothing except your own understanding.
"""

import jax, jax.numpy as jnp
import numpy as np

VOCAB = 1000000
EMBED_DIM = 32
BATCH = 4096
HIST = 200

def setup_inputs(seed: int = 0) -> dict:
    key = jax.random.key(seed)
    k_idx, k_tab = jax.random.split(key)
    x = jax.random.randint(k_idx, (BATCH, HIST), 0, VOCAB, dtype=jnp.int64 if jax.config.jax_enable_x64 else jnp.int32)
    table = jax.random.normal(k_tab, (VOCAB + 1, EMBED_DIM), dtype=jnp.float32)
    return {"x": x, "table": table}

def reference(x, table):
    # nn.Embedding(vocab_size + 1, embedding_dim) lookup
    return jnp.take(table, x, axis=0)

if __name__ == "__main__":
    import jax
    _d = setup_inputs()
    print(jax.jit(kernel)(*tuple(_d.values())))

</pallas_src>

<mosaic_0001>
#map = affine_map<(d0, d1) -> (0, 0)>
module attributes {stable_mosaic.version = 14 : i64} {
  func.func @emb(%arg0: i32, %arg1: i32, %arg2: memref<6400x128xi32, #tpu.memory_space<hbm>>, %arg3: memref<1000001x32xf32, #tpu.memory_space<hbm>>, %arg4: memref<819200x32xf32, #tpu.memory_space<hbm>>, %arg5: memref<200x128xi32, #tpu.memory_space<vmem>>, %arg6: memref<4x640x32xf32, #tpu.memory_space<vmem>>, %arg7: memref<!tpu.dma_semaphore, #tpu.memory_space<semaphore_mem>>, %arg8: memref<!tpu.dma_semaphore, #tpu.memory_space<semaphore_mem>>, %arg9: memref<!tpu.dma_semaphore, #tpu.memory_space<semaphore_mem>>, %arg10: memref<!tpu.dma_semaphore, #tpu.memory_space<semaphore_mem>>, %arg11: memref<!tpu.dma_semaphore, #tpu.memory_space<semaphore_mem>>, %arg12: memref<!tpu.dma_semaphore, #tpu.memory_space<semaphore_mem>>, %arg13: memref<!tpu.dma_semaphore, #tpu.memory_space<semaphore_mem>>, %arg14: memref<!tpu.dma_semaphore, #tpu.memory_space<semaphore_mem>>) attributes {dimension_semantics = [#tpu.dimension_semantics<core_parallel>, #tpu.dimension_semantics<subcore_parallel>], iteration_bounds = array<i64: 2, 16>, scalar_prefetch = 0 : i64, scratch_operands = 10 : i64, tpu.core_type = #tpu.core_type<sc_vector_subcore>, window_params = [{transform_indices = #map}, {transform_indices = #map}, {transform_indices = #map}]} {
    %mul3A = arith.constant 2 : i32
    %mul3A_0 = arith.muli %arg1, %mul3A : i32
    %add3A = arith.addi %mul3A_0, %arg0 : i32
    %mul3A_1 = arith.constant 200 : i32
    %mul3A_2 = arith.muli %add3A, %mul3A_1 : i32
    %mul3A_3 = arith.constant 25600 : i32
    %mul3A_4 = arith.muli %add3A, %mul3A_3 : i32
    "tpu.region"() ({
      %run_scoped3A = tpu.sem_alloc : memref<!tpu.dma_semaphore, #tpu.memory_space<semaphore_mem>>
      %dma_start3A_427 = arith.constant 0 : i32
      %dma_start3A_428 = tpu.memref_slice %arg2[%mul3A_2, %dma_start3A_427] : memref<6400x128xi32, #tpu.memory_space<hbm>> -> memref<200x128xi32, #tpu.memory_space<hbm>>
      %dma_start3A_429 = arith.constant 0 : i32
      %dma_start3A_430 = tpu.memref_slice %arg2[%mul3A_2, %dma_start3A_429] : memref<6400x128xi32, #tpu.memory_space<hbm>> -> memref<200x128xi32, #tpu.memory_space<hbm>>
      tpu.enqueue_dma source(%dma_start3A_430 : memref<200x128xi32, #tpu.memory_space<hbm>>) target(%arg5 : memref<200x128xi32, #tpu.memory_space<vmem>>) target_semaphore(%run_scoped3A : memref<!tpu.dma_semaphore, #tpu.memory_space<semaphore_mem>>)
      %dma_wait3A_431 = arith.constant 0 : i32
      %dma_wait3A_432 = tpu.memref_slice %arg2[%mul3A_2, %dma_wait3A_431] : memref<6400x128xi32, #tpu.memory_space<hbm>> -> memref<200x128xi32, #tpu.memory_space<hbm>>
      %dma_wait3A_433 = arith.constant 0 : i32
      %dma_wait3A_434 = tpu.memref_slice %arg2[%mul3A_2, %dma_wait3A_433] : memref<6400x128xi32, #tpu.memory_space<hbm>> -> memref<200x128xi32, #tpu.memory_space<hbm>>
      tpu.wait_dma2 semaphore(%run_scoped3A : memref<!tpu.dma_semaphore, #tpu.memory_space<semaphore_mem>>) src(%dma_wait3A_434 : memref<200x128xi32, #tpu.memory_space<hbm>>) dst(%arg5 : memref<200x128xi32, #tpu.memory_space<vmem>>)
      tpu.yield
    }) : () -> ()
    %dma_start3A = arith.constant 0 : i32
    %dma_start3A_5 = arith.constant 0 : i32
    %dma_start3A_6 = arith.constant 0 : i32
    %dma_start3A_7 = arith.constant 0 : i32
    %dma_start3A_8 = tpu.memref_slice %arg6[%dma_start3A_5, %dma_start3A_6, %dma_start3A_7] : memref<4x640x32xf32, #tpu.memory_space<vmem>> -> memref<1x128x32xf32, #tpu.memory_space<vmem>>
    %dma_start3A_9 = tpu.memref_squeeze %dma_start3A_8 : memref<1x128x32xf32, #tpu.memory_space<vmem>> -> memref<128x32xf32, #tpu.memory_space<vmem>>
    %dma_start3A_10 = arith.constant 0 : i32
    %dma_start3A_11 = tpu.memref_slice %arg5[%dma_start3A, %dma_start3A_10] : memref<200x128xi32, #tpu.memory_space<vmem>> -> memref<1x128xi32, #tpu.memory_space<vmem>>
    %dma_start3A_12 = tpu.memref_squeeze %dma_start3A_11 : memref<1x128xi32, #tpu.memory_space<vmem>> -> memref<128xi32, #tpu.memory_space<vmem>>
    %dma_start3A_13 = arith.constant 0 : i32
    %dma_start3A_14 = arith.constant 0 : i32
    %dma_start3A_15 = tpu.memref_slice %arg3[%dma_start3A_13, %dma_start3A_14] : memref<1000001x32xf32, #tpu.memory_space<hbm>> -> memref<1000001x32xf32, #tpu.memory_space<hbm>>
    tpu.enqueue_indirect_dma source(%dma_start3A_15 : memref<1000001x32xf32, #tpu.memory_space<hbm>>) target(%dma_start3A_9 : memref<128x32xf32, #tpu.memory_space<vmem>>) offsets(%dma_start3A_12 : memref<128xi32, #tpu.memory_space<vmem>>) semaphore(%arg7 : memref<!tpu.dma_semaphore, #tpu.memory_space<semaphore_mem>>)
    %dma_start3A_16 = arith.constant 1 : i32
    %dma_start3A_17 = arith.constant 0 : i32
    %dma_start3A_18 = arith.constant 128 : i32
    %dma_start3A_19 = arith.constant 0 : i32
    %dma_start3A_20 = tpu.memref_slice %arg6[%dma_start3A_17, %dma_start3A_18, %dma_start3A_19] : memref<4x640x32xf32, #tpu.memory_space<vmem>> -> memref<1x128x32xf32, #tpu.memory_space<vmem>>
    %dma_start3A_21 = tpu.memref_squeeze %dma_start3A_20 : memref<1x128x32xf32, #tpu.memory_space<vmem>> -> memref<128x32xf32, #tpu.memory_space<vmem>>
    %dma_start3A_22 = arith.constant 0 : i32
    %dma_start3A_23 = tpu.memref_slice %arg5[%dma_start3A_16, %dma_start3A_22] : memref<200x128xi32, #tpu.memory_space<vmem>> -> memref<1x128xi32, #tpu.memory_space<vmem>>
    %dma_start3A_24 = tpu.memref_squeeze %dma_start3A_23 : memref<1x128xi32, #tpu.memory_space<vmem>> -> memref<128xi32, #tpu.memory_space<vmem>>
    %dma_start3A_25 = arith.constant 0 : i32
    %dma_start3A_26 = arith.constant 0 : i32
    %dma_start3A_27 = tpu.memref_slice %arg3[%dma_start3A_25, %dma_start3A_26] : memref<1000001x32xf32, #tpu.memory_space<hbm>> -> memref<1000001x32xf32, #tpu.memory_space<hbm>>
    tpu.enqueue_indirect_dma source(%dma_start3A_27 : memref<1000001x32xf32, #tpu.memory_space<hbm>>) target(%dma_start3A_21 : memref<128x32xf32, #tpu.memory_space<vmem>>) offsets(%dma_start3A_24 : memref<128xi32, #tpu.memory_space<vmem>>) semaphore(%arg7 : memref<!tpu.dma_semaphore, #tpu.memory_space<semaphore_mem>>)
    %dma_start3A_28 = arith.constant 2 : i32
    %dma_start3A_29 = arith.constant 0 : i32
    %dma_start3A_30 = arith.constant 256 : i32
    %dma_start3A_31 = arith.constant 0 : i32
    %dma_start3A_32 = tpu.memref_slice %arg6[%dma_start3A_29, %dma_start3A_30, %dma_start3A_31] : memref<4x640x32xf32, #tpu.memory_space<vmem>> -> memref<1x128x32xf32, #tpu.memory_space<vmem>>
    %dma_start3A_33 = tpu.memref_squeeze %dma_start3A_32 : memref<1x128x32xf32, #tpu.memory_space<vmem>> -> memref<128x32xf32, #tpu.memory_space<vmem>>
    %dma_start3A_34 = arith.constant 0 : i32
    %dma_start3A_35 = tpu.memref_slice %arg5[%dma_start3A_28, %dma_start3A_34] : memref<200x128xi32, #tpu.memory_space<vmem>> -> memref<1x128xi32, #tpu.memory_space<vmem>>
    %dma_start3A_36 = tpu.memref_squeeze %dma_start3A_35 : memref<1x128xi32, #tpu.memory_space<vmem>> -> memref<128xi32, #tpu.memory_space<vmem>>
    %dma_start3A_37 = arith.constant 0 : i32
    %dma_start3A_38 = arith.constant 0 : i32
    %dma_start3A_39 = tpu.memref_slice %arg3[%dma_start3A_37, %dma_start3A_38] : memref<1000001x32xf32, #tpu.memory_space<hbm>> -> memref<1000001x32xf32, #tpu.memory_space<hbm>>
    tpu.enqueue_indirect_dma source(%dma_start3A_39 : memref<1000001x32xf32, #tpu.memory_space<hbm>>) target(%dma_start3A_33 : memref<128x32xf32, #tpu.memory_space<vmem>>) offsets(%dma_start3A_36 : memref<128xi32, #tpu.memory_space<vmem>>) semaphore(%arg7 : memref<!tpu.dma_semaphore, #tpu.memory_space<semaphore_mem>>)
    %dma_start3A_40 = arith.constant 3 : i32
    %dma_start3A_41 = arith.constant 0 : i32
    %dma_start3A_42 = arith.constant 384 : i32
    %dma_start3A_43 = arith.constant 0 : i32
    %dma_start3A_44 = tpu.memref_slice %arg6[%dma_start3A_41, %dma_start3A_42, %dma_start3A_43] : memref<4x640x32xf32, #tpu.memory_space<vmem>> -> memref<1x128x32xf32, #tpu.memory_space<vmem>>
    %dma_start3A_45 = tpu.memref_squeeze %dma_start3A_44 : memref<1x128x32xf32, #tpu.memory_space<vmem>> -> memref<128x32xf32, #tpu.memory_space<vmem>>
    %dma_start3A_46 = arith.constant 0 : i32
    %dma_start3A_47 = tpu.memref_slice %arg5[%dma_start3A_40, %dma_start3A_46] : memref<200x128xi32, #tpu.memory_space<vmem>> -> memref<1x128xi32, #tpu.memory_space<vmem>>
    %dma_start3A_48 = tpu.memref_squeeze %dma_start3A_47 : memref<1x128xi32, #tpu.memory_space<vmem>> -> memref<128xi32, #tpu.memory_space<vmem>>
    %dma_start3A_49 = arith.constant 0 : i32
    %dma_start3A_50 = arith.constant 0 : i32
    %dma_start3A_51 = tpu.memref_slice %arg3[%dma_start3A_49, %dma_start3A_50] : memref<1000001x32xf32, #tpu.memory_space<hbm>> -> memref<1000001x32xf32, #tpu.memory_space<hbm>>
    tpu.enqueue_indirect_dma source(%dma_start3A_51 : memref<1000001x32xf32, #tpu.memory_space<hbm>>) target(%dma_start3A_45 : memref<128x32xf32, #tpu.memory_space<vmem>>) offsets(%dma_start3A_48 : memref<128xi32, #tpu.memory_space<vmem>>) semaphore(%arg7 : memref<!tpu.dma_semaphore, #tpu.memory_space<semaphore_mem>>)
    %dma_start3A_52 = arith.constant 4 : i32
    %dma_start3A_53 = arith.constant 0 : i32
    %dma_start3A_54 = arith.constant 512 : i32
    %dma_start3A_55 = arith.constant 0 : i32
    %dma_start3A_56 = tpu.memref_slice %arg6[%dma_start3A_53, %dma_start3A_54, %dma_start3A_55] : memref<4x640x32xf32, #tpu.memory_space<vmem>> -> memref<1x128x32xf32, #tpu.memory_space<vmem>>
    %dma_start3A_57 = tpu.memref_squeeze %dma_start3A_56 : memref<1x128x32xf32, #tpu.memory_space<vmem>> -> memref<128x32xf32, #tpu.memory_space<vmem>>
    %dma_start3A_58 = arith.constant 0 : i32
    %dma_start3A_59 = tpu.memref_slice %arg5[%dma_start3A_52, %dma_start3A_58] : memref<200x128xi32, #tpu.memory_space<vmem>> -> memref<1x128xi32, #tpu.memory_space<vmem>>
    %dma_start3A_60 = tpu.memref_squeeze %dma_start3A_59 : memref<1x128xi32, #tpu.memory_space<vmem>> -> memref<128xi32, #tpu.memory_space<vmem>>
    %dma_start3A_61 = arith.constant 0 : i32
    %dma_start3A_62 = arith.constant 0 : i32
    %dma_start3A_63 = tpu.memref_slice %arg3[%dma_start3A_61, %dma_start3A_62] : memref<1000001x32xf32, #tpu.memory_space<hbm>> -> memref<1000001x32xf32, #tpu.memory_space<hbm>>
    tpu.enqueue_indirect_dma source(%dma_start3A_63 : memref<1000001x32xf32, #tpu.memory_space<hbm>>) target(%dma_start3A_57 : memref<128x32xf32, #tpu.memory_space<vmem>>) offsets(%dma_start3A_60 : memref<128xi32, #tpu.memory_space<vmem>>) semaphore(%arg7 : memref<!tpu.dma_semaphore, #tpu.memory_space<semaphore_mem>>)
    %dma_start3A_64 = arith.constant 5 : i32
    %dma_start3A_65 = arith.constant 1 : i32
    %dma_start3A_66 = arith.constant 0 : i32
    %dma_start3A_67 = arith.constant 0 : i32
    %dma_start3A_68 = tpu.memref_slice %arg6[%dma_start3A_65, %dma_start3A_66, %dma_start3A_67] : memref<4x640x32xf32, #tpu.memory_space<vmem>> -> memref<1x128x32xf32, #tpu.memory_space<vmem>>
    %dma_start3A_69 = tpu.memref_squeeze %dma_start3A_68 : memref<1x128x32xf32, #tpu.memory_space<vmem>> -> memref<128x32xf32, #tpu.memory_space<vmem>>
    %dma_start3A_70 = arith.constant 0 : i32
    %dma_start3A_71 = tpu.memref_slice %arg5[%dma_start3A_64, %dma_start3A_70] : memref<200x128xi32, #tpu.memory_space<vmem>> -> memref<1x128xi32, #tpu.memory_space<vmem>>
    %dma_start3A_72 = tpu.memref_squeeze %dma_start3A_71 : memref<1x128xi32, #tpu.memory_space<vmem>> -> memref<128xi32, #tpu.memory_space<vmem>>
    %dma_start3A_73 = arith.constant 0 : i32
    %dma_start3A_74 = arith.constant 0 : i32
    %dma_start3A_75 = tpu.memref_slice %arg3[%dma_start3A_73, %dma_start3A_74] : memref<1000001x32xf32, #tpu.memory_space<hbm>> -> memref<1000001x32xf32, #tpu.memory_space<hbm>>
    tpu.enqueue_indirect_dma source(%dma_start3A_75 : memref<1000001x32xf32, #tpu.memory_space<hbm>>) target(%dma_start3A_69 : memref<128x32xf32, #tpu.memory_space<vmem>>) offsets(%dma_start3A_72 : memref<128xi32, #tpu.memory_space<vmem>>) semaphore(%arg8 : memref<!tpu.dma_semaphore, #tpu.memory_space<semaphore_mem>>)
    %dma_start3A_76 = arith.constant 6 : i32
    %dma_start3A_77 = arith.constant 1 : i32
    %dma_start3A_78 = arith.constant 128 : i32
    %dma_start3A_79 = arith.constant 0 : i32
    %dma_start3A_80 = tpu.memref_slice %arg6[%dma_start3A_77, %dma_start3A_78, %dma_start3A_79] : memref<4x640x32xf32, #tpu.memory_space<vmem>> -> memref<1x128x32xf32, #tpu.memory_space<vmem>>
    %dma_start3A_81 = tpu.memref_squeeze %dma_start3A_80 : memref<1x128x32xf32, #tpu.memory_space<vmem>> -> memref<128x32xf32, #tpu.memory_space<vmem>>
    %dma_start3A_82 = arith.constant 0 : i32
    %dma_start3A_83 = tpu.memref_slice %arg5[%dma_start3A_76, %dma_start3A_82] : memref<200x128xi32, #tpu.memory_space<vmem>> -> memref<1x128xi32, #tpu.memory_space<vmem>>
    %dma_start3A_84 = tpu.memref_squeeze %dma_start3A_83 : memref<1x128xi32, #tpu.memory_space<vmem>> -> memref<128xi32, #tpu.memory_space<vmem>>
    %dma_start3A_85 = arith.constant 0 : i32
    %dma_start3A_86 = arith.constant 0 : i32
    %dma_start3A_87 = tpu.memref_slice %arg3[%dma_start3A_85, %dma_start3A_86] : memref<1000001x32xf32, #tpu.memory_space<hbm>> -> memref<1000001x32xf32, #tpu.memory_space<hbm>>
    tpu.enqueue_indirect_dma source(%dma_start3A_87 : memref<1000001x32xf32, #tpu.memory_space<hbm>>) target(%dma_start3A_81 : memref<128x32xf32, #tpu.memory_space<vmem>>) offsets(%dma_start3A_84 : memref<128xi32, #tpu.memory_space<vmem>>) semaphore(%arg8 : memref<!tpu.dma_semaphore, #tpu.memory_space<semaphore_mem>>)
    %dma_start3A_88 = arith.constant 7 : i32
    %dma_start3A_89 = arith.constant 1 : i32
    %dma_start3A_90 = arith.constant 256 : i32
    %dma_start3A_91 = arith.constant 0 : i32
    %dma_start3A_92 = tpu.memref_slice %arg6[%dma_start3A_89, %dma_start3A_90, %dma_start3A_91] : memref<4x640x32xf32, #tpu.memory_space<vmem>> -> memref<1x128x32xf32, #tpu.memory_space<vmem>>
    %dma_start3A_93 = tpu.memref_squeeze %dma_start3A_92 : memref<1x128x32xf32, #tpu.memory_space<vmem>> -> memref<128x32xf32, #tpu.memory_space<vmem>>
    %dma_start3A_94 = arith.constant 0 : i32
    %dma_start3A_95 = tpu.memref_slice %arg5[%dma_start3A_88, %dma_start3A_94] : memref<200x128xi32, #tpu.memory_space<vmem>> -> memref<1x128xi32, #tpu.memory_space<vmem>>
    %dma_start3A_96 = tpu.memref_squeeze %dma_start3A_95 : memref<1x128xi32, #tpu.memory_space<vmem>> -> memref<128xi32, #tpu.memory_space<vmem>>
    %dma_start3A_97 = arith.constant 0 : i32
    %dma_start3A_98 = arith.constant 0 : i32
    %dma_start3A_99 = tpu.memref_slice %arg3[%dma_start3A_97, %dma_start3A_98] : memref<1000001x32xf32, #tpu.memory_space<hbm>> -> memref<1000001x32xf32, #tpu.memory_space<hbm>>
    tpu.enqueue_indirect_dma source(%dma_start3A_99 : memref<1000001x32xf32, #tpu.memory_space<hbm>>) target(%dma_start3A_93 : memref<128x32xf32, #tpu.memory_space<vmem>>) offsets(%dma_start3A_96 : memref<128xi32, #tpu.memory_space<vmem>>) semaphore(%arg8 : memref<!tpu.dma_semaphore, #tpu.memory_space<semaphore_mem>>)
    %dma_start3A_100 = arith.constant 8 : i32
    %dma_start3A_101 = arith.constant 1 : i32
    %dma_start3A_102 = arith.constant 384 : i32
    %dma_start3A_103 = arith.constant 0 : i32
    %dma_start3A_104 = tpu.memref_slice %arg6[%dma_start3A_101, %dma_start3A_102, %dma_start3A_103] : memref<4x640x32xf32, #tpu.memory_space<vmem>> -> memref<1x128x32xf32, #tpu.memory_space<vmem>>
    %dma_start3A_105 = tpu.memref_squeeze %dma_start3A_104 : memref<1x128x32xf32, #tpu.memory_space<vmem>> -> memref<128x32xf32, #tpu.memory_space<vmem>>
    %dma_start3A_106 = arith.constant 0 : i32
    %dma_start3A_107 = tpu.memref_slice %arg5[%dma_start3A_100, %dma_start3A_106] : memref<200x128xi32, #tpu.memory_space<vmem>> -> memref<1x128xi32, #tpu.memory_space<vmem>>
    %dma_start3A_108 = tpu.memref_squeeze %dma_start3A_107 : memref<1x128xi32, #tpu.memory_space<vmem>> -> memref<128xi32, #tpu.memory_space<vmem>>
    %dma_start3A_109 = arith.constant 0 : i32
    %dma_start3A_110 = arith.constant 0 : i32
    %dma_start3A_111 = tpu.memref_slice %arg3[%dma_start3A_109, %dma_start3A_110] : memref<1000001x32xf32, #tpu.memory_space<hbm>> -> memref<1000001x32xf32, #tpu.memory_space<hbm>>
    tpu.enqueue_indirect_dma source(%dma_start3A_111 : memref<1000001x32xf32, #tpu.memory_space<hbm>>) target(%dma_start3A_105 : memref<128x32xf32, #tpu.memory_space<vmem>>) offsets(%dma_start3A_108 : memref<128xi32, #tpu.memory_space<vmem>>) semaphore(%arg8 : memref<!tpu.dma_semaphore, #tpu.memory_space<semaphore_mem>>)
    %dma_start3A_112 = arith.constant 9 : i32
    %dma_start3A_113 = arith.constant 1 : i32
    %dma_start3A_114 = arith.constant 512 : i32
    %dma_start3A_115 = arith.constant 0 : i32
    %dma_start3A_116 = tpu.memref_slice %arg6[%dma_start3A_113, %dma_start3A_114, %dma_start3A_115] : memref<4x640x32xf32, #tpu.memory_space<vmem>> -> memref<1x128x32xf32, #tpu.memory_space<vmem>>
    %dma_start3A_117 = tpu.memref_squeeze %dma_start3A_116 : memref<1x128x32xf32, #tpu.memory_space<vmem>> -> memref<128x32xf32, #tpu.memory_space<vmem>>
    %dma_start3A_118 = arith.constant 0 : i32
    %dma_start3A_119 = tpu.memref_slice %arg5[%dma_start3A_112, %dma_start3A_118] : memref<200x128xi32, #tpu.memory_space<vmem>> -> memref<1x128xi32, #tpu.memory_space<vmem>>
    %dma_start3A_120 = tpu.memref_squeeze %dma_start3A_119 : memref<1x128xi32, #tpu.memory_space<vmem>> -> memref<128xi32, #tpu.memory_space<vmem>>
    %dma_start3A_121 = arith.constant 0 : i32
    %dma_start3A_122 = arith.constant 0 : i32
    %dma_start3A_123 = tpu.memref_slice %arg3[%dma_start3A_121, %dma_start3A_122] : memref<1000001x32xf32, #tpu.memory_space<hbm>> -> memref<1000001x32xf32, #tpu.memory_space<hbm>>
    tpu.enqueue_indirect_dma source(%dma_start3A_123 : memref<1000001x32xf32, #tpu.memory_space<hbm>>) target(%dma_start3A_117 : memref<128x32xf32, #tpu.memory_space<vmem>>) offsets(%dma_start3A_120 : memref<128xi32, #tpu.memory_space<vmem>>) semaphore(%arg8 : memref<!tpu.dma_semaphore, #tpu.memory_space<semaphore_mem>>)
    %dma_wait3A = arith.constant 0 : i32
    %dma_wait3A_124 = arith.constant 0 : i32
    %dma_wait3A_125 = arith.constant 0 : i32
    %dma_wait3A_126 = tpu.memref_slice %arg6[%dma_wait3A, %dma_wait3A_124, %dma_wait3A_125] : memref<4x640x32xf32, #tpu.memory_space<vmem>> -> memref<1x640x32xf32, #tpu.memory_space<vmem>>
    %dma_wait3A_127 = tpu.memref_squeeze %dma_wait3A_126 : memref<1x640x32xf32, #tpu.memory_space<vmem>> -> memref<640x32xf32, #tpu.memory_space<vmem>>
    %dma_wait3A_128 = arith.constant 0 : i32
    %dma_wait3A_129 = arith.constant 0 : i32
    %dma_wait3A_130 = tpu.memref_slice %arg3[%dma_wait3A_128, %dma_wait3A_129] : memref<1000001x32xf32, #tpu.memory_space<hbm>> -> memref<640x32xf32, #tpu.memory_space<hbm>>
    %dma_wait3A_131 = arith.constant 0 : i32
    %dma_wait3A_132 = arith.constant 0 : i32
    %dma_wait3A_133 = tpu.memref_slice %arg6[%dma_wait3A, %dma_wait3A_131, %dma_wait3A_132] : memref<4x640x32xf32, #tpu.memory_space<vmem>> -> memref<1x640x32xf32, #tpu.memory_space<vmem>>
    %dma_wait3A_134 = tpu.memref_squeeze %dma_wait3A_133 : memref<1x640x32xf32, #tpu.memory_space<vmem>> -> memref<640x32xf32, #tpu.memory_space<vmem>>
    %dma_wait3A_135 = arith.constant 0 : i32
    %dma_wait3A_136 = arith.constant 0 : i32
    %dma_wait3A_137 = tpu.memref_slice %arg3[%dma_wait3A_135, %dma_wait3A_136] : memref<1000001x32xf32, #tpu.memory_space<hbm>> -> memref<640x32xf32, #tpu.memory_space<hbm>>
    tpu.wait_dma2 semaphore(%arg7 : memref<!tpu.dma_semaphore, #tpu.memory_space<semaphore_mem>>) src(%dma_wait3A_137 : memref<640x32xf32, #tpu.memory_space<hbm>>) dst(%dma_wait3A_134 : memref<640x32xf32, #tpu.memory_space<vmem>>)
    %add3A_138 = arith.constant 0 : i32
    %add3A_139 = arith.addi %mul3A_4, %add3A_138 : i32
    %dma_start3A_140 = arith.constant 0 : i32
    %dma_start3A_141 = arith.constant 0 : i32
    %dma_start3A_142 = arith.constant 0 : i32
    %dma_start3A_143 = tpu.memref_slice %arg6[%dma_start3A_140, %dma_start3A_141, %dma_start3A_142] : memref<4x640x32xf32, #tpu.memory_space<vmem>> -> memref<1x640x32xf32, #tpu.memory_space<vmem>>
    %dma_start3A_144 = tpu.memref_squeeze %dma_start3A_143 : memref<1x640x32xf32, #tpu.memory_space<vmem>> -> memref<640x32xf32, #tpu.memory_space<vmem>>
    %dma_start3A_145 = arith.constant 0 : i32
    %dma_start3A_146 = tpu.memref_slice %arg4[%add3A_139, %dma_start3A_145] : memref<819200x32xf32, #tpu.memory_space<hbm>> -> memref<640x32xf32, #tpu.memory_space<hbm>>
    %dma_start3A_147 = arith.constant 0 : i32
    %dma_start3A_148 = tpu.memref_slice %arg4[%add3A_139, %dma_start3A_147] : memref<819200x32xf32, #tpu.memory_space<hbm>> -> memref<640x32xf32, #tpu.memory_space<hbm>>
    %dma_start3A_149 = arith.constant 0 : i32
    %dma_start3A_150 = arith.constant 0 : i32
    %dma_start3A_151 = tpu.memref_slice %arg6[%dma_start3A_140, %dma_start3A_149, %dma_start3A_150] : memref<4x640x32xf32, #tpu.memory_space<vmem>> -> memref<1x640x32xf32, #tpu.memory_space<vmem>>
    %dma_start3A_152 = tpu.memref_squeeze %dma_start3A_151 : memref<1x640x32xf32, #tpu.memory_space<vmem>> -> memref<640x32xf32, #tpu.memory_space<vmem>>
    tpu.enqueue_dma source(%dma_start3A_152 : memref<640x32xf32, #tpu.memory_space<vmem>>) target(%dma_start3A_148 : memref<640x32xf32, #tpu.memory_space<hbm>>) target_semaphore(%arg11 : memref<!tpu.dma_semaphore, #tpu.memory_space<semaphore_mem>>)
    %dma_start3A_153 = arith.constant 10 : i32
    %dma_start3A_154 = arith.constant 2 : i32
    %dma_start3A_155 = arith.constant 0 : i32
    %dma_start3A_156 = arith.constant 0 : i32
    %dma_start3A_157 = tpu.memref_slice %arg6[%dma_start3A_154, %dma_start3A_155, %dma_start3A_156] : memref<4x640x32xf32, #tpu.memory_space<vmem>> -> memref<1x128x32xf32, #tpu.memory_space<vmem>>
    %dma_start3A_158 = tpu.memref_squeeze %dma_start3A_157 : memref<1x128x32xf32, #tpu.memory_space<vmem>> -> memref<128x32xf32, #tpu.memory_space<vmem>>
    %dma_start3A_159 = arith.constant 0 : i32
    %dma_start3A_160 = tpu.memref_slice %arg5[%dma_start3A_153, %dma_start3A_159] : memref<200x128xi32, #tpu.memory_space<vmem>> -> memref<1x128xi32, #tpu.memory_space<vmem>>
    %dma_start3A_161 = tpu.memref_squeeze %dma_start3A_160 : memref<1x128xi32, #tpu.memory_space<vmem>> -> memref<128xi32, #tpu.memory_space<vmem>>
    %dma_start3A_162 = arith.constant 0 : i32
    %dma_start3A_163 = arith.constant 0 : i32
    %dma_start3A_164 = tpu.memref_slice %arg3[%dma_start3A_162, %dma_start3A_163] : memref<1000001x32xf32, #tpu.memory_space<hbm>> -> memref<1000001x32xf32, #tpu.memory_space<hbm>>
    tpu.enqueue_indirect_dma source(%dma_start3A_164 : memref<1000001x32xf32, #tpu.memory_space<hbm>>) target(%dma_start3A_158 : memref<128x32xf32, #tpu.memory_space<vmem>>) offsets(%dma_start3A_161 : memref<128xi32, #tpu.memory_space<vmem>>) semaphore(%arg9 : memref<!tpu.dma_semaphore, #tpu.memory_space<semaphore_mem>>)
    %dma_start3A_165 = arith.constant 11 : i32
    %dma_start3A_166 = arith.constant 2 : i32
    %dma_start3A_167 = arith.constant 128 : i32
    %dma_start3A_168 = arith.constant 0 : i32
    %dma_start3A_169 = tpu.memref_slice %arg6[%dma_start3A_166, %dma_start3A_167, %dma_start3A_168] : memref<4x640x32xf32, #tpu.memory_space<vmem>> -> memref<1x128x32xf32, #tpu.memory_space<vmem>>
    %dma_start3A_170 = tpu.memref_squeeze %dma_start3A_169 : memref<1x128x32xf32, #tpu.memory_space<vmem>> -> memref<128x32xf32, #tpu.memory_space<vmem>>
    %dma_start3A_171 = arith.constant 0 : i32
    %dma_start3A_172 = tpu.memref_slice %arg5[%dma_start3A_165, %dma_start3A_171] : memref<200x128xi32, #tpu.memory_space<vmem>> -> memref<1x128xi32, #tpu.memory_space<vmem>>
    %dma_start3A_173 = tpu.memref_squeeze %dma_start3A_172 : memref<1x128xi32, #tpu.memory_space<vmem>> -> memref<128xi32, #tpu.memory_space<vmem>>
    %dma_start3A_174 = arith.constant 0 : i32
    %dma_start3A_175 = arith.constant 0 : i32
    %dma_start3A_176 = tpu.memref_slice %arg3[%dma_start3A_174, %dma_start3A_175] : memref<1000001x32xf32, #tpu.memory_space<hbm>> -> memref<1000001x32xf32, #tpu.memory_space<hbm>>
    tpu.enqueue_indirect_dma source(%dma_start3A_176 : memref<1000001x32xf32, #tpu.memory_space<hbm>>) target(%dma_start3A_170 : memref<128x32xf32, #tpu.memory_space<vmem>>) offsets(%dma_start3A_173 : memref<128xi32, #tpu.memory_space<vmem>>) semaphore(%arg9 : memref<!tpu.dma_semaphore, #tpu.memory_space<semaphore_mem>>)
    %dma_start3A_177 = arith.constant 12 : i32
    %dma_start3A_178 = arith.constant 2 : i32
    %dma_start3A_179 = arith.constant 256 : i32
    %dma_start3A_180 = arith.constant 0 : i32
    %dma_start3A_181 = tpu.memref_slice %arg6[%dma_start3A_178, %dma_start3A_179, %dma_start3A_180] : memref<4x640x32xf32, #tpu.memory_space<vmem>> -> memref<1x128x32xf32, #tpu.memory_space<vmem>>
    %dma_start3A_182 = tpu.memref_squeeze %dma_start3A_181 : memref<1x128x32xf32, #tpu.memory_space<vmem>> -> memref<128x32xf32, #tpu.memory_space<vmem>>
    %dma_start3A_183 = arith.constant 0 : i32
    %dma_start3A_184 = tpu.memref_slice %arg5[%dma_start3A_177, %dma_start3A_183] : memref<200x128xi32, #tpu.memory_space<vmem>> -> memref<1x128xi32, #tpu.memory_space<vmem>>
    %dma_start3A_185 = tpu.memref_squeeze %dma_start3A_184 : memref<1x128xi32, #tpu.memory_space<vmem>> -> memref<128xi32, #tpu.memory_space<vmem>>
    %dma_start3A_186 = arith.constant 0 : i32
    %dma_start3A_187 = arith.constant 0 : i32
    %dma_start3A_188 = tpu.memref_slice %arg3[%dma_start3A_186, %dma_start3A_187] : memref<1000001x32xf32, #tpu.memory_space<hbm>> -> memref<1000001x32xf32, #tpu.memory_space<hbm>>
    tpu.enqueue_indirect_dma source(%dma_start3A_188 : memref<1000001x32xf32, #tpu.memory_space<hbm>>) target(%dma_start3A_182 : memref<128x32xf32, #tpu.memory_space<vmem>>) offsets(%dma_start3A_185 : memref<128xi32, #tpu.memory_space<vmem>>) semaphore(%arg9 : memref<!tpu.dma_semaphore, #tpu.memory_space<semaphore_mem>>)
    %dma_start3A_189 = arith.constant 13 : i32
    %dma_start3A_190 = arith.constant 2 : i32
    %dma_start3A_191 = arith.constant 384 : i32
    %dma_start3A_192 = arith.constant 0 : i32
    %dma_start3A_193 = tpu.memref_slice %arg6[%dma_start3A_190, %dma_start3A_191, %dma_start3A_192] : memref<4x640x32xf32, #tpu.memory_space<vmem>> -> memref<1x128x32xf32, #tpu.memory_space<vmem>>
    %dma_start3A_194 = tpu.memref_squeeze %dma_start3A_193 : memref<1x128x32xf32, #tpu.memory_space<vmem>> -> memref<128x32xf32, #tpu.memory_space<vmem>>
    %dma_start3A_195 = arith.constant 0 : i32
    %dma_start3A_196 = tpu.memref_slice %arg5[%dma_start3A_189, %dma_start3A_195] : memref<200x128xi32, #tpu.memory_space<vmem>> -> memref<1x128xi32, #tpu.memory_space<vmem>>
    %dma_start3A_197 = tpu.memref_squeeze %dma_start3A_196 : memref<1x128xi32, #tpu.memory_space<vmem>> -> memref<128xi32, #tpu.memory_space<vmem>>
    %dma_start3A_198 = arith.constant 0 : i32
    %dma_start3A_199 = arith.constant 0 : i32
    %dma_start3A_200 = tpu.memref_slice %arg3[%dma_start3A_198, %dma_start3A_199] : memref<1000001x32xf32, #tpu.memory_space<hbm>> -> memref<1000001x32xf32, #tpu.memory_space<hbm>>
    tpu.enqueue_indirect_dma source(%dma_start3A_200 : memref<1000001x32xf32, #tpu.memory_space<hbm>>) target(%dma_start3A_194 : memref<128x32xf32, #tpu.memory_space<vmem>>) offsets(%dma_start3A_197 : memref<128xi32, #tpu.memory_space<vmem>>) semaphore(%arg9 : memref<!tpu.dma_semaphore, #tpu.memory_space<semaphore_mem>>)
    %dma_start3A_201 = arith.constant 14 : i32
    %dma_start3A_202 = arith.constant 2 : i32
    %dma_start3A_203 = arith.constant 512 : i32
    %dma_start3A_204 = arith.constant 0 : i32
    %dma_start3A_205 = tpu.memref_slice %arg6[%dma_start3A_202, %dma_start3A_203, %dma_start3A_204] : memref<4x640x32xf32, #tpu.memory_space<vmem>> -> memref<1x128x32xf32, #tpu.memory_space<vmem>>
    %dma_start3A_206 = tpu.memref_squeeze %dma_start3A_205 : memref<1x128x32xf32, #tpu.memory_space<vmem>> -> memref<128x32xf32, #tpu.memory_space<vmem>>
    %dma_start3A_207 = arith.constant 0 : i32
    %dma_start3A_208 = tpu.memref_slice %arg5[%dma_start3A_201, %dma_start3A_207] : memref<200x128xi32, #tpu.memory_space<vmem>> -> memref<1x128xi32, #tpu.memory_space<vmem>>
    %dma_start3A_209 = tpu.memref_squeeze %dma_start3A_208 : memref<1x128xi32, #tpu.memory_space<vmem>> -> memref<128xi32, #tpu.memory_space<vmem>>
    %dma_start3A_210 = arith.constant 0 : i32
    %dma_start3A_211 = arith.constant 0 : i32
    %dma_start3A_212 = tpu.memref_slice %arg3[%dma_start3A_210, %dma_start3A_211] : memref<1000001x32xf32, #tpu.memory_space<hbm>> -> memref<1000001x32xf32, #tpu.memory_space<hbm>>
    tpu.enqueue_indirect_dma source(%dma_start3A_212 : memref<1000001x32xf32, #tpu.memory_space<hbm>>) target(%dma_start3A_206 : memref<128x32xf32, #tpu.memory_space<vmem>>) offsets(%dma_start3A_209 : memref<128xi32, #tpu.memory_space<vmem>>) semaphore(%arg9 : memref<!tpu.dma_semaphore, #tpu.memory_space<semaphore_mem>>)
    %dma_wait3A_213 = arith.constant 1 : i32
    %dma_wait3A_214 = arith.constant 0 : i32
    %dma_wait3A_215 = arith.constant 0 : i32
    %dma_wait3A_216 = tpu.memref_slice %arg6[%dma_wait3A_213, %dma_wait3A_214, %dma_wait3A_215] : memref<4x640x32xf32, #tpu.memory_space<vmem>> -> memref<1x640x32xf32, #tpu.memory_space<vmem>>
    %dma_wait3A_217 = tpu.memref_squeeze %dma_wait3A_216 : memref<1x640x32xf32, #tpu.memory_space<vmem>> -> memref<640x32xf32, #tpu.memory_space<vmem>>
    %dma_wait3A_218 = arith.constant 0 : i32
    %dma_wait3A_219 = arith.constant 0 : i32
    %dma_wait3A_220 = tpu.memref_slice %arg3[%dma_wait3A_218, %dma_wait3A_219] : memref<1000001x32xf32, #tpu.memory_space<hbm>> -> memref<640x32xf32, #tpu.memory_space<hbm>>
    %dma_wait3A_221 = arith.constant 0 : i32
    %dma_wait3A_222 = arith.constant 0 : i32
    %dma_wait3A_223 = tpu.memref_slice %arg6[%dma_wait3A_213, %dma_wait3A_221, %dma_wait3A_222] : memref<4x640x32xf32, #tpu.memory_space<vmem>> -> memref<1x640x32xf32, #tpu.memory_space<vmem>>
    %dma_wait3A_224 = tpu.memref_squeeze %dma_wait3A_223 : memref<1x640x32xf32, #tpu.memory_space<vmem>> -> memref<640x32xf32, #tpu.memory_space<vmem>>
    %dma_wait3A_225 = arith.constant 0 : i32
    %dma_wait3A_226 = arith.constant 0 : i32
    %dma_wait3A_227 = tpu.memref_slice %arg3[%dma_wait3A_225, %dma_wait3A_226] : memref<1000001x32xf32, #tpu.memory_space<hbm>> -> memref<640x32xf32, #tpu.memory_space<hbm>>
    tpu.wait_dma2 semaphore(%arg8 : memref<!tpu.dma_semaphore, #tpu.memory_space<semaphore_mem>>) src(%dma_wait3A_227 : memref<640x32xf32, #tpu.memory_space<hbm>>) dst(%dma_wait3A_224 : memref<640x32xf32, #tpu.memory_space<vmem>>)
    %add3A_228 = arith.constant 640 : i32
    %add3A_229 = arith.addi %mul3A_4, %add3A_228 : i32
    %dma_start3A_230 = arith.constant 1 : i32
    %dma_start3A_231 = arith.constant 0 : i32
    %dma_start3A_232 = arith.constant 0 : i32
    %dma_start3A_233 = tpu.memref_slice %arg6[%dma_start3A_230, %dma_start3A_231, %dma_start3A_232] : memref<4x640x32xf32, #tpu.memory_space<vmem>> -> memref<1x640x32xf32, #tpu.memory_space<vmem>>
    %dma_start3A_234 = tpu.memref_squeeze %dma_start3A_233 : memref<1x640x32xf32, #tpu.memory_space<vmem>> -> memref<640x32xf32, #tpu.memory_space<vmem>>
    %dma_start3A_235 = arith.constant 0 : i32
    %dma_start3A_236 = tpu.memref_slice %arg4[%add3A_229, %dma_start3A_235] : memref<819200x32xf32, #tpu.memory_space<hbm>> -> memref<640x32xf32, #tpu.memory_space<hbm>>
    %dma_start3A_237 = arith.constant 0 : i32
    %dma_start3A_238 = tpu.memref_slice %arg4[%add3A_229, %dma_start3A_237] : memref<819200x32xf32, #tpu.memory_space<hbm>> -> memref<640x32xf32, #tpu.memory_space<hbm>>
    %dma_start3A_239 = arith.constant 0 : i32
    %dma_start3A_240 = arith.constant 0 : i32
    %dma_start3A_241 = tpu.memref_slice %arg6[%dma_start3A_230, %dma_start3A_239, %dma_start3A_240] : memref<4x640x32xf32, #tpu.memory_space<vmem>> -> memref<1x640x32xf32, #tpu.memory_space<vmem>>
    %dma_start3A_242 = tpu.memref_squeeze %dma_start3A_241 : memref<1x640x32xf32, #tpu.memory_space<vmem>> -> memref<640x32xf32, #tpu.memory_space<vmem>>
    tpu.enqueue_dma source(%dma_start3A_242 : memref<640x32xf32, #tpu.memory_space<vmem>>) target(%dma_start3A_238 : memref<640x32xf32, #tpu.memory_space<hbm>>) target_semaphore(%arg12 : memref<!tpu.dma_semaphore, #tpu.memory_space<semaphore_mem>>)
    %dma_start3A_243 = arith.constant 15 : i32
    %dma_start3A_244 = arith.constant 3 : i32
    %dma_start3A_245 = arith.constant 0 : i32
    %dma_start3A_246 = arith.constant 0 : i32
    %dma_start3A_247 = tpu.memref_slice %arg6[%dma_start3A_244, %dma_start3A_245, %dma_start3A_246] : memref<4x640x32xf32, #tpu.memory_space<vmem>> -> memref<1x128x32xf32, #tpu.memory_space<vmem>>
    %dma_start3A_248 = tpu.memref_squeeze %dma_start3A_247 : memref<1x128x32xf32, #tpu.memory_space<vmem>> -> memref<128x32xf32, #tpu.memory_space<vmem>>
    %dma_start3A_249 = arith.constant 0 : i32
    %dma_start3A_250 = tpu.memref_slice %arg5[%dma_start3A_243, %dma_start3A_249] : memref<200x128xi32, #tpu.memory_space<vmem>> -> memref<1x128xi32, #tpu.memory_space<vmem>>
    %dma_start3A_251 = tpu.memref_squeeze %dma_start3A_250 : memref<1x128xi32, #tpu.memory_space<vmem>> -> memref<128xi32, #tpu.memory_space<vmem>>
    %dma_start3A_252 = arith.constant 0 : i32
    %dma_start3A_253 = arith.constant 0 : i32
    %dma_start3A_254 = tpu.memref_slice %arg3[%dma_start3A_252, %dma_start3A_253] : memref<1000001x32xf32, #tpu.memory_space<hbm>> -> memref<1000001x32xf32, #tpu.memory_space<hbm>>
    tpu.enqueue_indirect_dma source(%dma_start3A_254 : memref<1000001x32xf32, #tpu.memory_space<hbm>>) target(%dma_start3A_248 : memref<128x32xf32, #tpu.memory_space<vmem>>) offsets(%dma_start3A_251 : memref<128xi32, #tpu.memory_space<vmem>>) semaphore(%arg10 : memref<!tpu.dma_semaphore, #tpu.memory_space<semaphore_mem>>)
    %dma_start3A_255 = arith.constant 16 : i32
    %dma_start3A_256 = arith.constant 3 : i32
    %dma_start3A_257 = arith.constant 128 : i32
    %dma_start3A_258 = arith.constant 0 : i32
    %dma_start3A_259 = tpu.memref_slice %arg6[%dma_start3A_256, %dma_start3A_257, %dma_start3A_258] : memref<4x640x32xf32, #tpu.memory_space<vmem>> -> memref<1x128x32xf32, #tpu.memory_space<vmem>>
    %dma_start3A_260 = tpu.memref_squeeze %dma_start3A_259 : memref<1x128x32xf32, #tpu.memory_space<vmem>> -> memref<128x32xf32, #tpu.memory_space<vmem>>
    %dma_start3A_261 = arith.constant 0 : i32
    %dma_start3A_262 = tpu.memref_slice %arg5[%dma_start3A_255, %dma_start3A_261] : memref<200x128xi32, #tpu.memory_space<vmem>> -> memref<1x128xi32, #tpu.memory_space<vmem>>
    %dma_start3A_263 = tpu.memref_squeeze %dma_start3A_262 : memref<1x128xi32, #tpu.memory_space<vmem>> -> memref<128xi32, #tpu.memory_space<vmem>>
    %dma_start3A_264 = arith.constant 0 : i32
    %dma_start3A_265 = arith.constant 0 : i32
    %dma_start3A_266 = tpu.memref_slice %arg3[%dma_start3A_264, %dma_start3A_265] : memref<1000001x32xf32, #tpu.memory_space<hbm>> -> memref<1000001x32xf32, #tpu.memory_space<hbm>>
    tpu.enqueue_indirect_dma source(%dma_start3A_266 : memref<1000001x32xf32, #tpu.memory_space<hbm>>) target(%dma_start3A_260 : memref<128x32xf32, #tpu.memory_space<vmem>>) offsets(%dma_start3A_263 : memref<128xi32, #tpu.memory_space<vmem>>) semaphore(%arg10 : memref<!tpu.dma_semaphore, #tpu.memory_space<semaphore_mem>>)
    %dma_start3A_267 = arith.constant 17 : i32
    %dma_start3A_268 = arith.constant 3 : i32
    %dma_start3A_269 = arith.constant 256 : i32
    %dma_start3A_270 = arith.constant 0 : i32
    %dma_start3A_271 = tpu.memref_slice %arg6[%dma_start3A_268, %dma_start3A_269, %dma_start3A_270] : memref<4x640x32xf32, #tpu.memory_space<vmem>> -> memref<1x128x32xf32, #tpu.memory_space<vmem>>
    %dma_start3A_272 = tpu.memref_squeeze %dma_start3A_271 : memref<1x128x32xf32, #tpu.memory_space<vmem>> -> memref<128x32xf32, #tpu.memory_space<vmem>>
    %dma_start3A_273 = arith.constant 0 : i32
    %dma_start3A_274 = tpu.memref_slice %arg5[%dma_start3A_267, %dma_start3A_273] : memref<200x128xi32, #tpu.memory_space<vmem>> -> memref<1x128xi32, #tpu.memory_space<vmem>>
    %dma_start3A_275 = tpu.memref_squeeze %dma_start3A_274 : memref<1x128xi32, #tpu.memory_space<vmem>> -> memref<128xi32, #tpu.memory_space<vmem>>
    %dma_start3A_276 = arith.constant 0 : i32
    %dma_start3A_277 = arith.constant 0 : i32
    %dma_start3A_278 = tpu.memref_slice %arg3[%dma_start3A_276, %dma_start3A_277] : memref<1000001x32xf32, #tpu.memory_space<hbm>> -> memref<1000001x32xf32, #tpu.memory_space<hbm>>
    tpu.enqueue_indirect_dma source(%dma_start3A_278 : memref<1000001x32xf32, #tpu.memory_space<hbm>>) target(%dma_start3A_272 : memref<128x32xf32, #tpu.memory_space<vmem>>) offsets(%dma_start3A_275 : memref<128xi32, #tpu.memory_space<vmem>>) semaphore(%arg10 : memref<!tpu.dma_semaphore, #tpu.memory_space<semaphore_mem>>)
    %dma_start3A_279 = arith.constant 18 : i32
    %dma_start3A_280 = arith.constant 3 : i32
    %dma_start3A_281 = arith.constant 384 : i32
    %dma_start3A_282 = arith.constant 0 : i32
    %dma_start3A_283 = tpu.memref_slice %arg6[%dma_start3A_280, %dma_start3A_281, %dma_start3A_282] : memref<4x640x32xf32, #tpu.memory_space<vmem>> -> memref<1x128x32xf32, #tpu.memory_space<vmem>>
    %dma_start3A_284 = tpu.memref_squeeze %dma_start3A_283 : memref<1x128x32xf32, #tpu.memory_space<vmem>> -> memref<128x32xf32, #tpu.memory_space<vmem>>
    %dma_start3A_285 = arith.constant 0 : i32
    %dma_start3A_286 = tpu.memref_slice %arg5[%dma_start3A_279, %dma_start3A_285] : memref<200x128xi32, #tpu.memory_space<vmem>> -> memref<1x128xi32, #tpu.memory_space<vmem>>
    %dma_start3A_287 = tpu.memref_squeeze %dma_start3A_286 : memref<1x128xi32, #tpu.memory_space<vmem>> -> memref<128xi32, #tpu.memory_space<vmem>>
    %dma_start3A_288 = arith.constant 0 : i32
    %dma_start3A_289 = arith.constant 0 : i32
    %dma_start3A_290 = tpu.memref_slice %arg3[%dma_start3A_288, %dma_start3A_289] : memref<1000001x32xf32, #tpu.memory_space<hbm>> -> memref<1000001x32xf32, #tpu.memory_space<hbm>>
    tpu.enqueue_indirect_dma source(%dma_start3A_290 : memref<1000001x32xf32, #tpu.memory_space<hbm>>) target(%dma_start3A_284 : memref<128x32xf32, #tpu.memory_space<vmem>>) offsets(%dma_start3A_287 : memref<128xi32, #tpu.memory_space<vmem>>) semaphore(%arg10 : memref<!tpu.dma_semaphore, #tpu.memory_space<semaphore_mem>>)
    %dma_start3A_291 = arith.constant 19 : i32
    %dma_start3A_292 = arith.constant 3 : i32
    %dma_start3A_293 = arith.constant 512 : i32
    %dma_start3A_294 = arith.constant 0 : i32
    %dma_start3A_295 = tpu.memref_slice %arg6[%dma_start3A_292, %dma_start3A_293, %dma_start3A_294] : memref<4x640x32xf32, #tpu.memory_space<vmem>> -> memref<1x128x32xf32, #tpu.memory_space<vmem>>
    %dma_start3A_296 = tpu.memref_squeeze %dma_start3A_295 : memref<1x128x32xf32, #tpu.memory_space<vmem>> -> memref<128x32xf32, #tpu.memory_space<vmem>>
    %dma_start3A_297 = arith.constant 0 : i32
    %dma_start3A_298 = tpu.memref_slice %arg5[%dma_start3A_291, %dma_start3A_297] : memref<200x128xi32, #tpu.memory_space<vmem>> -> memref<1x128xi32, #tpu.memory_space<vmem>>
    %dma_start3A_299 = tpu.memref_squeeze %dma_start3A_298 : memref<1x128xi32, #tpu.memory_space<vmem>> -> memref<128xi32, #tpu.memory_space<vmem>>
    %dma_start3A_300 = arith.constant 0 : i32
    %dma_start3A_301 = arith.constant 0 : i32
    %dma_start3A_302 = tpu.memref_slice %arg3[%dma_start3A_300, %dma_start3A_301] : memref<1000001x32xf32, #tpu.memory_space<hbm>> -> memref<1000001x32xf32, #tpu.memory_space<hbm>>
    tpu.enqueue_indirect_dma source(%dma_start3A_302 : memref<1000001x32xf32, #tpu.memory_space<hbm>>) target(%dma_start3A_296 : memref<128x32xf32, #tpu.memory_space<vmem>>) offsets(%dma_start3A_299 : memref<128xi32, #tpu.memory_space<vmem>>) semaphore(%arg10 : memref<!tpu.dma_semaphore, #tpu.memory_space<semaphore_mem>>)
    %scan3A = arith.constant 0 : i32
    %scan3A_303 = arith.constant 9 : i32
    %scan3A_304 = arith.addi %scan3A, %scan3A_303 : i32
    %scan3A_305 = arith.constant 1 : i32
    scf.for %scan3A_427 = %scan3A to %scan3A_304 step %scan3A_305  : i32 {
      %mul3A_428 = arith.constant 4 : i32
      %mul3A_429 = arith.muli %scan3A_427, %mul3A_428 : i32
      %add3A_430 = arith.constant 2 : i32
      %add3A_431 = arith.addi %add3A_430, %mul3A_429 : i32
      %dma_wait3A_432 = arith.constant 2 : i32
      %dma_wait3A_433 = arith.constant 0 : i32
      %dma_wait3A_434 = arith.constant 0 : i32
      %dma_wait3A_435 = tpu.memref_slice %arg6[%dma_wait3A_432, %dma_wait3A_433, %dma_wait3A_434] : memref<4x640x32xf32, #tpu.memory_space<vmem>> -> memref<1x640x32xf32, #tpu.memory_space<vmem>>
      %dma_wait3A_436 = tpu.memref_squeeze %dma_wait3A_435 : memref<1x640x32xf32, #tpu.memory_space<vmem>> -> memref<640x32xf32, #tpu.memory_space<vmem>>
      %dma_wait3A_437 = arith.constant 0 : i32
      %dma_wait3A_438 = arith.constant 0 : i32
      %dma_wait3A_439 = tpu.memref_slice %arg3[%dma_wait3A_437, %dma_wait3A_438] : memref<1000001x32xf32, #tpu.memory_space<hbm>> -> memref<640x32xf32, #tpu.memory_space<hbm>>
      %dma_wait3A_440 = arith.constant 0 : i32
      %dma_wait3A_441 = arith.constant 0 : i32
      %dma_wait3A_442 = tpu.memref_slice %arg6[%dma_wait3A_432, %dma_wait3A_440, %dma_wait3A_441] : memref<4x640x32xf32, #tpu.memory_space<vmem>> -> memref<1x640x32xf32, #tpu.memory_space<vmem>>
      %dma_wait3A_443 = tpu.memref_squeeze %dma_wait3A_442 : memref<1x640x32xf32, #tpu.memory_space<vmem>> -> memref<640x32xf32, #tpu.memory_space<vmem>>
      %dma_wait3A_444 = arith.constant 0 : i32
      %dma_wait3A_445 = arith.constant 0 : i32
      %dma_wait3A_446 = tpu.memref_slice %arg3[%dma_wait3A_444, %dma_wait3A_445] : memref<1000001x32xf32, #tpu.memory_space<hbm>> -> memref<640x32xf32, #tpu.memory_space<hbm>>
      tpu.wait_dma2 semaphore(%arg9 : memref<!tpu.dma_semaphore, #tpu.memory_space<semaphore_mem>>) src(%dma_wait3A_446 : memref<640x32xf32, #tpu.memory_space<hbm>>) dst(%dma_wait3A_443 : memref<640x32xf32, #tpu.memory_space<vmem>>)
      %add3A_447 = arith.constant 0 : i32
      %add3A_448 = arith.addi %add3A_431, %add3A_447 : i32
      %mul3A_449 = arith.constant 640 : i32
      %mul3A_450 = arith.muli %add3A_448, %mul3A_449 : i32
      %add3A_451 = arith.addi %mul3A_4, %mul3A_450 : i32
      %dma_start3A_452 = arith.constant 2 : i32
      %dma_start3A_453 = arith.constant 0 : i32
      %dma_start3A_454 = arith.constant 0 : i32
      %dma_start3A_455 = tpu.memref_slice %arg6[%dma_start3A_452, %dma_start3A_453, %dma_start3A_454] : memref<4x640x32xf32, #tpu.memory_space<vmem>> -> memref<1x640x32xf32, #tpu.memory_space<vmem>>
      %dma_start3A_456 = tpu.memref_squeeze %dma_start3A_455 : memref<1x640x32xf32, #tpu.memory_space<vmem>> -> memref<640x32xf32, #tpu.memory_space<vmem>>
      %dma_start3A_457 = arith.constant 0 : i32
      %dma_start3A_458 = tpu.memref_slice %arg4[%add3A_451, %dma_start3A_457] : memref<819200x32xf32, #tpu.memory_space<hbm>> -> memref<640x32xf32, #tpu.memory_space<hbm>>
      %dma_start3A_459 = arith.constant 0 : i32
      %dma_start3A_460 = tpu.memref_slice %arg4[%add3A_451, %dma_start3A_459] : memref<819200x32xf32, #tpu.memory_space<hbm>> -> memref<640x32xf32, #tpu.memory_space<hbm>>
      %dma_start3A_461 = arith.constant 0 : i32
      %dma_start3A_462 = arith.constant 0 : i32
      %dma_start3A_463 = tpu.memref_slice %arg6[%dma_start3A_452, %dma_start3A_461, %dma_start3A_462] : memref<4x640x32xf32, #tpu.memory_space<vmem>> -> memref<1x640x32xf32, #tpu.memory_space<vmem>>
      %dma_start3A_464 = tpu.memref_squeeze %dma_start3A_463 : memref<1x640x32xf32, #tpu.memory_space<vmem>> -> memref<640x32xf32, #tpu.memory_space<vmem>>
      tpu.enqueue_dma source(%dma_start3A_464 : memref<640x32xf32, #tpu.memory_space<vmem>>) target(%dma_start3A_460 : memref<640x32xf32, #tpu.memory_space<hbm>>) target_semaphore(%arg13 : memref<!tpu.dma_semaphore, #tpu.memory_space<semaphore_mem>>)
      %dma_wait3A_465 = arith.constant 0 : i32
      %dma_wait3A_466 = arith.constant 0 : i32
      %dma_wait3A_467 = arith.constant 0 : i32
      %dma_wait3A_468 = tpu.memref_slice %arg6[%dma_wait3A_465, %dma_wait3A_466, %dma_wait3A_467] : memref<4x640x32xf32, #tpu.memory_space<vmem>> -> memref<1x640x32xf32, #tpu.memory_space<vmem>>
      %dma_wait3A_469 = tpu.memref_squeeze %dma_wait3A_468 : memref<1x640x32xf32, #tpu.memory_space<vmem>> -> memref<640x32xf32, #tpu.memory_space<vmem>>
      %dma_wait3A_470 = arith.constant 0 : i32
      %dma_wait3A_471 = arith.constant 0 : i32
      %dma_wait3A_472 = tpu.memref_slice %arg4[%dma_wait3A_470, %dma_wait3A_471] : memref<819200x32xf32, #tpu.memory_space<hbm>> -> memref<640x32xf32, #tpu.memory_space<hbm>>
      %dma_wait3A_473 = arith.constant 0 : i32
      %dma_wait3A_474 = arith.constant 0 : i32
      %dma_wait3A_475 = tpu.memref_slice %arg4[%dma_wait3A_473, %dma_wait3A_474] : memref<819200x32xf32, #tpu.memory_space<hbm>> -> memref<640x32xf32, #tpu.memory_space<hbm>>
      %dma_wait3A_476 = arith.constant 0 : i32
      %dma_wait3A_477 = arith.constant 0 : i32
      %dma_wait3A_478 = tpu.memref_slice %arg6[%dma_wait3A_465, %dma_wait3A_476, %dma_wait3A_477] : memref<4x640x32xf32, #tpu.memory_space<vmem>> -> memref<1x640x32xf32, #tpu.memory_space<vmem>>
      %dma_wait3A_479 = tpu.memref_squeeze %dma_wait3A_478 : memref<1x640x32xf32, #tpu.memory_space<vmem>> -> memref<640x32xf32, #tpu.memory_space<vmem>>
      tpu.wait_dma2 semaphore(%arg11 : memref<!tpu.dma_semaphore, #tpu.memory_space<semaphore_mem>>) src(%dma_wait3A_479 : memref<640x32xf32, #tpu.memory_space<vmem>>) dst(%dma_wait3A_475 : memref<640x32xf32, #tpu.memory_space<hbm>>)
      %add3A_480 = arith.constant 0 : i32
      %add3A_481 = arith.addi %add3A_431, %add3A_480 : i32
      %add3A_482 = arith.constant 2 : i32
      %add3A_483 = arith.addi %add3A_481, %add3A_482 : i32
      %mul3A_484 = arith.constant 5 : i32
      %mul3A_485 = arith.muli %add3A_483, %mul3A_484 : i32
      %add3A_486 = arith.constant 0 : i32
      %add3A_487 = arith.addi %mul3A_485, %add3A_486 : i32
      %dma_start3A_488 = arith.constant 0 : i32
      %dma_start3A_489 = arith.constant 0 : i32
      %dma_start3A_490 = arith.constant 0 : i32
      %dma_start3A_491 = tpu.memref_slice %arg6[%dma_start3A_488, %dma_start3A_489, %dma_start3A_490] : memref<4x640x32xf32, #tpu.memory_space<vmem>> -> memref<1x128x32xf32, #tpu.memory_space<vmem>>
      %dma_start3A_492 = tpu.memref_squeeze %dma_start3A_491 : memref<1x128x32xf32, #tpu.memory_space<vmem>> -> memref<128x32xf32, #tpu.memory_space<vmem>>
      %dma_start3A_493 = arith.constant 0 : i32
      %dma_start3A_494 = tpu.memref_slice %arg5[%add3A_487, %dma_start3A_493] : memref<200x128xi32, #tpu.memory_space<vmem>> -> memref<1x128xi32, #tpu.memory_space<vmem>>
      %dma_start3A_495 = tpu.memref_squeeze %dma_start3A_494 : memref<1x128xi32, #tpu.memory_space<vmem>> -> memref<128xi32, #tpu.memory_space<vmem>>
      %dma_start3A_496 = arith.constant 0 : i32
      %dma_start3A_497 = arith.constant 0 : i32
      %dma_start3A_498 = tpu.memref_slice %arg3[%dma_start3A_496, %dma_start3A_497] : memref<1000001x32xf32, #tpu.memory_space<hbm>> -> memref<1000001x32xf32, #tpu.memory_space<hbm>>
      tpu.enqueue_indirect_dma source(%dma_start3A_498 : memref<1000001x32xf32, #tpu.memory_space<hbm>>) target(%dma_start3A_492 : memref<128x32xf32, #tpu.memory_space<vmem>>) offsets(%dma_start3A_495 : memref<128xi32, #tpu.memory_space<vmem>>) semaphore(%arg7 : memref<!tpu.dma_semaphore, #tpu.memory_space<semaphore_mem>>)
      %mul3A_499 = arith.constant 5 : i32
      %mul3A_500 = arith.muli %add3A_483, %mul3A_499 : i32
      %add3A_501 = arith.constant 1 : i32
      %add3A_502 = arith.addi %mul3A_500, %add3A_501 : i32
      %dma_start3A_503 = arith.constant 0 : i32
      %dma_start3A_504 = arith.constant 128 : i32
      %dma_start3A_505 = arith.constant 0 : i32
      %dma_start3A_506 = tpu.memref_slice %arg6[%dma_start3A_503, %dma_start3A_504, %dma_start3A_505] : memref<4x640x32xf32, #tpu.memory_space<vmem>> -> memref<1x128x32xf32, #tpu.memory_space<vmem>>
      %dma_start3A_507 = tpu.memref_squeeze %dma_start3A_506 : memref<1x128x32xf32, #tpu.memory_space<vmem>> -> memref<128x32xf32, #tpu.memory_space<vmem>>
      %dma_start3A_508 = arith.constant 0 : i32
      %dma_start3A_509 = tpu.memref_slice %arg5[%add3A_502, %dma_start3A_508] : memref<200x128xi32, #tpu.memory_space<vmem>> -> memref<1x128xi32, #tpu.memory_space<vmem>>
      %dma_start3A_510 = tpu.memref_squeeze %dma_start3A_509 : memref<1x128xi32, #tpu.memory_space<vmem>> -> memref<128xi32, #tpu.memory_space<vmem>>
      %dma_start3A_511 = arith.constant 0 : i32
      %dma_start3A_512 = arith.constant 0 : i32
      %dma_start3A_513 = tpu.memref_slice %arg3[%dma_start3A_511, %dma_start3A_512] : memref<1000001x32xf32, #tpu.memory_space<hbm>> -> memref<1000001x32xf32, #tpu.memory_space<hbm>>
      tpu.enqueue_indirect_dma source(%dma_start3A_513 : memref<1000001x32xf32, #tpu.memory_space<hbm>>) target(%dma_start3A_507 : memref<128x32xf32, #tpu.memory_space<vmem>>) offsets(%dma_start3A_510 : memref<128xi32, #tpu.memory_space<vmem>>) semaphore(%arg7 : memref<!tpu.dma_semaphore, #tpu.memory_space<semaphore_mem>>)
      %mul3A_514 = arith.constant 5 : i32
      %mul3A_515 = arith.muli %add3A_483, %mul3A_514 : i32
      %add3A_516 = arith.constant 2 : i32
      %add3A_517 = arith.addi %mul3A_515, %add3A_516 : i32
      %dma_start3A_518 = arith.constant 0 : i32
      %dma_start3A_519 = arith.constant 256 : i32
      %dma_start3A_520 = arith.constant 0 : i32
      %dma_start3A_521 = tpu.memref_slice %arg6[%dma_start3A_518, %dma_start3A_519, %dma_start3A_520] : memref<4x640x32xf32, #tpu.memory_space<vmem>> -> memref<1x128x32xf32, #tpu.memory_space<vmem>>
      %dma_start3A_522 = tpu.memref_squeeze %dma_start3A_521 : memref<1x128x32xf32, #tpu.memory_space<vmem>> -> memref<128x32xf32, #tpu.memory_space<vmem>>
      %dma_start3A_523 = arith.constant 0 : i32
      %dma_start3A_524 = tpu.memref_slice %arg5[%add3A_517, %dma_start3A_523] : memref<200x128xi32, #tpu.memory_space<vmem>> -> memref<1x128xi32, #tpu.memory_space<vmem>>
      %dma_start3A_525 = tpu.memref_squeeze %dma_start3A_524 : memref<1x128xi32, #tpu.memory_space<vmem>> -> memref<128xi32, #tpu.memory_space<vmem>>
      %dma_start3A_526 = arith.constant 0 : i32
      %dma_start3A_527 = arith.constant 0 : i32
      %dma_start3A_528 = tpu.memref_slice %arg3[%dma_start3A_526, %dma_start3A_527] : memref<1000001x32xf32, #tpu.memory_space<hbm>> -> memref<1000001x32xf32, #tpu.memory_space<hbm>>
      tpu.enqueue_indirect_dma source(%dma_start3A_528 : memref<1000001x32xf32, #tpu.memory_space<hbm>>) target(%dma_start3A_522 : memref<128x32xf32, #tpu.memory_space<vmem>>) offsets(%dma_start3A_525 : memref<128xi32, #tpu.memory_space<vmem>>) semaphore(%arg7 : memref<!tpu.dma_semaphore, #tpu.memory_space<semaphore_mem>>)
      %mul3A_529 = arith.constant 5 : i32
      %mul3A_530 = arith.muli %add3A_483, %mul3A_529 : i32
      %add3A_531 = arith.constant 3 : i32
      %add3A_532 = arith.addi %mul3A_530, %add3A_531 : i32
      %dma_start3A_533 = arith.constant 0 : i32
      %dma_start3A_534 = arith.constant 384 : i32
      %dma_start3A_535 = arith.constant 0 : i32
      %dma_start3A_536 = tpu.memref_slice %arg6[%dma_start3A_533, %dma_start3A_534, %dma_start3A_535] : memref<4x640x32xf32, #tpu.memory_space<vmem>> -> memref<1x128x32xf32, #tpu.memory_space<vmem>>
      %dma_start3A_537 = tpu.memref_squeeze %dma_start3A_536 : memref<1x128x32xf32, #tpu.memory_space<vmem>> -> memref<128x32xf32, #tpu.memory_space<vmem>>
      %dma_start3A_538 = arith.constant 0 : i32
      %dma_start3A_539 = tpu.memref_slice %arg5[%add3A_532, %dma_start3A_538] : memref<200x128xi32, #tpu.memory_space<vmem>> -> memref<1x128xi32, #tpu.memory_space<vmem>>
      %dma_start3A_540 = tpu.memref_squeeze %dma_start3A_539 : memref<1x128xi32, #tpu.memory_space<vmem>> -> memref<128xi32, #tpu.memory_space<vmem>>
      %dma_start3A_541 = arith.constant 0 : i32
      %dma_start3A_542 = arith.constant 0 : i32
      %dma_start3A_543 = tpu.memref_slice %arg3[%dma_start3A_541, %dma_start3A_542] : memref<1000001x32xf32, #tpu.memory_space<hbm>> -> memref<1000001x32xf32, #tpu.memory_space<hbm>>
      tpu.enqueue_indirect_dma source(%dma_start3A_543 : memref<1000001x32xf32, #tpu.memory_space<hbm>>) target(%dma_start3A_537 : memref<128x32xf32, #tpu.memory_space<vmem>>) offsets(%dma_start3A_540 : memref<128xi32, #tpu.memory_space<vmem>>) semaphore(%arg7 : memref<!tpu.dma_semaphore, #tpu.memory_space<semaphore_mem>>)
      %mul3A_544 = arith.constant 5 : i32
      %mul3A_545 = arith.muli %add3A_483, %mul3A_544 : i32
      %add3A_546 = arith.constant 4 : i32
      %add3A_547 = arith.addi %mul3A_545, %add3A_546 : i32
      %dma_start3A_548 = arith.constant 0 : i32
      %dma_start3A_549 = arith.constant 512 : i32
      %dma_start3A_550 = arith.constant 0 : i32
      %dma_start3A_551 = tpu.memref_slice %arg6[%dma_start3A_548, %dma_start3A_549, %dma_start3A_550] : memref<4x640x32xf32, #tpu.memory_space<vmem>> -> memref<1x128x32xf32, #tpu.memory_space<vmem>>
      %dma_start3A_552 = tpu.memref_squeeze %dma_start3A_551 : memref<1x128x32xf32, #tpu.memory_space<vmem>> -> memref<128x32xf32, #tpu.memory_space<vmem>>
      %dma_start3A_553 = arith.constant 0 : i32
      %dma_start3A_554 = tpu.memref_slice %arg5[%add3A_547, %dma_start3A_553] : memref<200x128xi32, #tpu.memory_space<vmem>> -> memref<1x128xi32, #tpu.memory_space<vmem>>
      %dma_start3A_555 = tpu.memref_squeeze %dma_start3A_554 : memref<1x128xi32, #tpu.memory_space<vmem>> -> memref<128xi32, #tpu.memory_space<vmem>>
      %dma_start3A_556 = arith.constant 0 : i32
      %dma_start3A_557 = arith.constant 0 : i32
      %dma_start3A_558 = tpu.memref_slice %arg3[%dma_start3A_556, %dma_start3A_557] : memref<1000001x32xf32, #tpu.memory_space<hbm>> -> memref<1000001x32xf32, #tpu.memory_space<hbm>>
      tpu.enqueue_indirect_dma source(%dma_start3A_558 : memref<1000001x32xf32, #tpu.memory_space<hbm>>) target(%dma_start3A_552 : memref<128x32xf32, #tpu.memory_space<vmem>>) offsets(%dma_start3A_555 : memref<128xi32, #tpu.memory_space<vmem>>) semaphore(%arg7 : memref<!tpu.dma_semaphore, #tpu.memory_space<semaphore_mem>>)
      %dma_wait3A_559 = arith.constant 3 : i32
      %dma_wait3A_560 = arith.constant 0 : i32
      %dma_wait3A_561 = arith.constant 0 : i32
      %dma_wait3A_562 = tpu.memref_slice %arg6[%dma_wait3A_559, %dma_wait3A_560, %dma_wait3A_561] : memref<4x640x32xf32, #tpu.memory_space<vmem>> -> memref<1x640x32xf32, #tpu.memory_space<vmem>>
      %dma_wait3A_563 = tpu.memref_squeeze %dma_wait3A_562 : memref<1x640x32xf32, #tpu.memory_space<vmem>> -> memref<640x32xf32, #tpu.memory_space<vmem>>
      %dma_wait3A_564 = arith.constant 0 : i32
      %dma_wait3A_565 = arith.constant 0 : i32
      %dma_wait3A_566 = tpu.memref_slice %arg3[%dma_wait3A_564, %dma_wait3A_565] : memref<1000001x32xf32, #tpu.memory_space<hbm>> -> memref<640x32xf32, #tpu.memory_space<hbm>>
      %dma_wait3A_567 = arith.constant 0 : i32
      %dma_wait3A_568 = arith.constant 0 : i32
      %dma_wait3A_569 = tpu.memref_slice %arg6[%dma_wait3A_559, %dma_wait3A_567, %dma_wait3A_568] : memref<4x640x32xf32, #tpu.memory_space<vmem>> -> memref<1x640x32xf32, #tpu.memory_space<vmem>>
      %dma_wait3A_570 = tpu.memref_squeeze %dma_wait3A_569 : memref<1x640x32xf32, #tpu.memory_space<vmem>> -> memref<640x32xf32, #tpu.memory_space<vmem>>
      %dma_wait3A_571 = arith.constant 0 : i32
      %dma_wait3A_572 = arith.constant 0 : i32
      %dma_wait3A_573 = tpu.memref_slice %arg3[%dma_wait3A_571, %dma_wait3A_572] : memref<1000001x32xf32, #tpu.memory_space<hbm>> -> memref<640x32xf32, #tpu.memory_space<hbm>>
      tpu.wait_dma2 semaphore(%arg10 : memref<!tpu.dma_semaphore, #tpu.memory_space<semaphore_mem>>) src(%dma_wait3A_573 : memref<640x32xf32, #tpu.memory_space<hbm>>) dst(%dma_wait3A_570 : memref<640x32xf32, #tpu.memory_space<vmem>>)
      %add3A_574 = arith.constant 1 : i32
      %add3A_575 = arith.addi %add3A_431, %add3A_574 : i32
      %mul3A_576 = arith.constant 640 : i32
      %mul3A_577 = arith.muli %add3A_575, %mul3A_576 : i32
      %add3A_578 = arith.addi %mul3A_4, %mul3A_577 : i32
      %dma_start3A_579 = arith.constant 3 : i32
      %dma_start3A_580 = arith.constant 0 : i32
      %dma_start3A_581 = arith.constant 0 : i32
      %dma_start3A_582 = tpu.memref_slice %arg6[%dma_start3A_579, %dma_start3A_580, %dma_start3A_581] : memref<4x640x32xf32, #tpu.memory_space<vmem>> -> memref<1x640x32xf32, #tpu.memory_space<vmem>>
      %dma_start3A_583 = tpu.memref_squeeze %dma_start3A_582 : memref<1x640x32xf32, #tpu.memory_space<vmem>> -> memref<640x32xf32, #tpu.memory_space<vmem>>
      %dma_start3A_584 = arith.constant 0 : i32
      %dma_start3A_585 = tpu.memref_slice %arg4[%add3A_578, %dma_start3A_584] : memref<819200x32xf32, #tpu.memory_space<hbm>> -> memref<640x32xf32, #tpu.memory_space<hbm>>
      %dma_start3A_586 = arith.constant 0 : i32
      %dma_start3A_587 = tpu.memref_slice %arg4[%add3A_578, %dma_start3A_586] : memref<819200x32xf32, #tpu.memory_space<hbm>> -> memref<640x32xf32, #tpu.memory_space<hbm>>
      %dma_start3A_588 = arith.constant 0 : i32
      %dma_start3A_589 = arith.constant 0 : i32
      %dma_start3A_590 = tpu.memref_slice %arg6[%dma_start3A_579, %dma_start3A_588, %dma_start3A_589] : memref<4x640x32xf32, #tpu.memory_space<vmem>> -> memref<1x640x32xf32, #tpu.memory_space<vmem>>
      %dma_start3A_591 = tpu.memref_squeeze %dma_start3A_590 : memref<1x640x32xf32, #tpu.memory_space<vmem>> -> memref<640x32xf32, #tpu.memory_space<vmem>>
      tpu.enqueue_dma source(%dma_start3A_591 : memref<640x32xf32, #tpu.memory_space<vmem>>) target(%dma_start3A_587 : memref<640x32xf32, #tpu.memory_space<hbm>>) target_semaphore(%arg14 : memref<!tpu.dma_semaphore, #tpu.memory_space<semaphore_mem>>)
      %dma_wait3A_592 = arith.constant 1 : i32
      %dma_wait3A_593 = arith.constant 0 : i32
      %dma_wait3A_594 = arith.constant 0 : i32
      %dma_wait3A_595 = tpu.memref_slice %arg6[%dma_wait3A_592, %dma_wait3A_593, %dma_wait3A_594] : memref<4x640x32xf32, #tpu.memory_space<vmem>> -> memref<1x640x32xf32, #tpu.memory_space<vmem>>
      %dma_wait3A_596 = tpu.memref_squeeze %dma_wait3A_595 : memref<1x640x32xf32, #tpu.memory_space<vmem>> -> memref<640x32xf32, #tpu.memory_space<vmem>>
      %dma_wait3A_597 = arith.constant 0 : i32
      %dma_wait3A_598 = arith.constant 0 : i32
      %dma_wait3A_599 = tpu.memref_slice %arg4[%dma_wait3A_597, %dma_wait3A_598] : memref<819200x32xf32, #tpu.memory_space<hbm>> -> memref<640x32xf32, #tpu.memory_space<hbm>>
      %dma_wait3A_600 = arith.constant 0 : i32
      %dma_wait3A_601 = arith.constant 0 : i32
      %dma_wait3A_602 = tpu.memref_slice %arg4[%dma_wait3A_600, %dma_wait3A_601] : memref<819200x32xf32, #tpu.memory_space<hbm>> -> memref<640x32xf32, #tpu.memory_space<hbm>>
      %dma_wait3A_603 = arith.constant 0 : i32
      %dma_wait3A_604 = arith.constant 0 : i32
      %dma_wait3A_605 = tpu.memref_slice %arg6[%dma_wait3A_592, %dma_wait3A_603, %dma_wait3A_604] : memref<4x640x32xf32, #tpu.memory_space<vmem>> -> memref<1x640x32xf32, #tpu.memory_space<vmem>>
      %dma_wait3A_606 = tpu.memref_squeeze %dma_wait3A_605 : memref<1x640x32xf32, #tpu.memory_space<vmem>> -> memref<640x32xf32, #tpu.memory_space<vmem>>
      tpu.wait_dma2 semaphore(%arg12 : memref<!tpu.dma_semaphore, #tpu.memory_space<semaphore_mem>>) src(%dma_wait3A_606 : memref<640x32xf32, #tpu.memory_space<vmem>>) dst(%dma_wait3A_602 : memref<640x32xf32, #tpu.memory_space<hbm>>)
      %add3A_607 = arith.constant 1 : i32
      %add3A_608 = arith.addi %add3A_431, %add3A_607 : i32
      %add3A_609 = arith.constant 2 : i32
      %add3A_610 = arith.addi %add3A_608, %add3A_609 : i32
      %mul3A_611 = arith.constant 5 : i32
      %mul3A_612 = arith.muli %add3A_610, %mul3A_611 : i32
      %add3A_613 = arith.constant 0 : i32
      %add3A_614 = arith.addi %mul3A_612, %add3A_613 : i32
      %dma_start3A_615 = arith.constant 1 : i32
      %dma_start3A_616 = arith.constant 0 : i32
      %dma_start3A_617 = arith.constant 0 : i32
      %dma_start3A_618 = tpu.memref_slice %arg6[%dma_start3A_615, %dma_start3A_616, %dma_start3A_617] : memref<4x640x32xf32, #tpu.memory_space<vmem>> -> memref<1x128x32xf32, #tpu.memory_space<vmem>>
      %dma_start3A_619 = tpu.memref_squeeze %dma_start3A_618 : memref<1x128x32xf32, #tpu.memory_space<vmem>> -> memref<128x32xf32, #tpu.memory_space<vmem>>
      %dma_start3A_620 = arith.constant 0 : i32
      %dma_start3A_621 = tpu.memref_slice %arg5[%add3A_614, %dma_start3A_620] : memref<200x128xi32, #tpu.memory_space<vmem>> -> memref<1x128xi32, #tpu.memory_space<vmem>>
      %dma_start3A_622 = tpu.memref_squeeze %dma_start3A_621 : memref<1x128xi32, #tpu.memory_space<vmem>> -> memref<128xi32, #tpu.memory_space<vmem>>
      %dma_start3A_623 = arith.constant 0 : i32
      %dma_start3A_624 = arith.constant 0 : i32
      %dma_start3A_625 = tpu.memref_slice %arg3[%dma_start3A_623, %dma_start3A_624] : memref<1000001x32xf32, #tpu.memory_space<hbm>> -> memref<1000001x32xf32, #tpu.memory_space<hbm>>
      tpu.enqueue_indirect_dma source(%dma_start3A_625 : memref<1000001x32xf32, #tpu.memory_space<hbm>>) target(%dma_start3A_619 : memref<128x32xf32, #tpu.memory_space<vmem>>) offsets(%dma_start3A_622 : memref<128xi32, #tpu.memory_space<vmem>>) semaphore(%arg8 : memref<!tpu.dma_semaphore, #tpu.memory_space<semaphore_mem>>)
      %mul3A_626 = arith.constant 5 : i32
      %mul3A_627 = arith.muli %add3A_610, %mul3A_626 : i32
      %add3A_628 = arith.constant 1 : i32
      %add3A_629 = arith.addi %mul3A_627, %add3A_628 : i32
      %dma_start3A_630 = arith.constant 1 : i32
      %dma_start3A_631 = arith.constant 128 : i32
      %dma_start3A_632 = arith.constant 0 : i32
      %dma_start3A_633 = tpu.memref_slice %arg6[%dma_start3A_630, %dma_start3A_631, %dma_start3A_632] : memref<4x640x32xf32, #tpu.memory_space<vmem>> -> memref<1x128x32xf32, #tpu.memory_space<vmem>>
      %dma_start3A_634 = tpu.memref_squeeze %dma_start3A_633 : memref<1x128x32xf32, #tpu.memory_space<vmem>> -> memref<128x32xf32, #tpu.memory_space<vmem>>
      %dma_start3A_635 = arith.constant 0 : i32
      %dma_start3A_636 = tpu.memref_slice %arg5[%add3A_629, %dma_start3A_635] : memref<200x128xi32, #tpu.memory_space<vmem>> -> memref<1x128xi32, #tpu.memory_space<vmem>>
      %dma_start3A_637 = tpu.memref_squeeze %dma_start3A_636 : memref<1x128xi32, #tpu.memory_space<vmem>> -> memref<128xi32, #tpu.memory_space<vmem>>
      %dma_start3A_638 = arith.constant 0 : i32
      %dma_start3A_639 = arith.constant 0 : i32
      %dma_start3A_640 = tpu.memref_slice %arg3[%dma_start3A_638, %dma_start3A_639] : memref<1000001x32xf32, #tpu.memory_space<hbm>> -> memref<1000001x32xf32, #tpu.memory_space<hbm>>
      tpu.enqueue_indirect_dma source(%dma_start3A_640 : memref<1000001x32xf32, #tpu.memory_space<hbm>>) target(%dma_start3A_634 : memref<128x32xf32, #tpu.memory_space<vmem>>) offsets(%dma_start3A_637 : memref<128xi32, #tpu.memory_space<vmem>>) semaphore(%arg8 : memref<!tpu.dma_semaphore, #tpu.memory_space<semaphore_mem>>)
      %mul3A_641 = arith.constant 5 : i32
      %mul3A_642 = arith.muli %add3A_610, %mul3A_641 : i32
      %add3A_643 = arith.constant 2 : i32
      %add3A_644 = arith.addi %mul3A_642, %add3A_643 : i32
      %dma_start3A_645 = arith.constant 1 : i32
      %dma_start3A_646 = arith.constant 256 : i32
      %dma_start3A_647 = arith.constant 0 : i32
      %dma_start3A_648 = tpu.memref_slice %arg6[%dma_start3A_645, %dma_start3A_646, %dma_start3A_647] : memref<4x640x32xf32, #tpu.memory_space<vmem>> -> memref<1x128x32xf32, #tpu.memory_space<vmem>>
      %dma_start3A_649 = tpu.memref_squeeze %dma_start3A_648 : memref<1x128x32xf32, #tpu.memory_space<vmem>> -> memref<128x32xf32, #tpu.memory_space<vmem>>
      %dma_start3A_650 = arith.constant 0 : i32
      %dma_start3A_651 = tpu.memref_slice %arg5[%add3A_644, %dma_start3A_650] : memref<200x128xi32, #tpu.memory_space<vmem>> -> memref<1x128xi32, #tpu.memory_space<vmem>>
      %dma_start3A_652 = tpu.memref_squeeze %dma_start3A_651 : memref<1x128xi32, #tpu.memory_space<vmem>> -> memref<128xi32, #tpu.memory_space<vmem>>
      %dma_start3A_653 = arith.constant 0 : i32
      %dma_start3A_654 = arith.constant 0 : i32
      %dma_start3A_655 = tpu.memref_slice %arg3[%dma_start3A_653, %dma_start3A_654] : memref<1000001x32xf32, #tpu.memory_space<hbm>> -> memref<1000001x32xf32, #tpu.memory_space<hbm>>
      tpu.enqueue_indirect_dma source(%dma_start3A_655 : memref<1000001x32xf32, #tpu.memory_space<hbm>>) target(%dma_start3A_649 : memref<128x32xf32, #tpu.memory_space<vmem>>) offsets(%dma_start3A_652 : memref<128xi32, #tpu.memory_space<vmem>>) semaphore(%arg8 : memref<!tpu.dma_semaphore, #tpu.memory_space<semaphore_mem>>)
      %mul3A_656 = arith.constant 5 : i32
      %mul3A_657 = arith.muli %add3A_610, %mul3A_656 : i32
      %add3A_658 = arith.constant 3 : i32
      %add3A_659 = arith.addi %mul3A_657, %add3A_658 : i32
      %dma_start3A_660 = arith.constant 1 : i32
      %dma_start3A_661 = arith.constant 384 : i32
      %dma_start3A_662 = arith.constant 0 : i32
      %dma_start3A_663 = tpu.memref_slice %arg6[%dma_start3A_660, %dma_start3A_661, %dma_start3A_662] : memref<4x640x32xf32, #tpu.memory_space<vmem>> -> memref<1x128x32xf32, #tpu.memory_space<vmem>>
      %dma_start3A_664 = tpu.memref_squeeze %dma_start3A_663 : memref<1x128x32xf32, #tpu.memory_space<vmem>> -> memref<128x32xf32, #tpu.memory_space<vmem>>
      %dma_start3A_665 = arith.constant 0 : i32
      %dma_start3A_666 = tpu.memref_slice %arg5[%add3A_659, %dma_start3A_665] : memref<200x128xi32, #tpu.memory_space<vmem>> -> memref<1x128xi32, #tpu.memory_space<vmem>>
      %dma_start3A_667 = tpu.memref_squeeze %dma_start3A_666 : memref<1x128xi32, #tpu.memory_space<vmem>> -> memref<128xi32, #tpu.memory_space<vmem>>
      %dma_start3A_668 = arith.constant 0 : i32
      %dma_start3A_669 = arith.constant 0 : i32
      %dma_start3A_670 = tpu.memref_slice %arg3[%dma_start3A_668, %dma_start3A_669] : memref<1000001x32xf32, #tpu.memory_space<hbm>> -> memref<1000001x32xf32, #tpu.memory_space<hbm>>
      tpu.enqueue_indirect_dma source(%dma_start3A_670 : memref<1000001x32xf32, #tpu.memory_space<hbm>>) target(%dma_start3A_664 : memref<128x32xf32, #tpu.memory_space<vmem>>) offsets(%dma_start3A_667 : memref<128xi32, #tpu.memory_space<vmem>>) semaphore(%arg8 : memref<!tpu.dma_semaphore, #tpu.memory_space<semaphore_mem>>)
      %mul3A_671 = arith.constant 5 : i32
      %mul3A_672 = arith.muli %add3A_610, %mul3A_671 : i32
      %add3A_673 = arith.constant 4 : i32
      %add3A_674 = arith.addi %mul3A_672, %add3A_673 : i32
      %dma_start3A_675 = arith.constant 1 : i32
      %dma_start3A_676 = arith.constant 512 : i32
      %dma_start3A_677 = arith.constant 0 : i32
      %dma_start3A_678 = tpu.memref_slice %arg6[%dma_start3A_675, %dma_start3A_676, %dma_start3A_677] : memref<4x640x32xf32, #tpu.memory_space<vmem>> -> memref<1x128x32xf32, #tpu.memory_space<vmem>>
      %dma_start3A_679 = tpu.memref_squeeze %dma_start3A_678 : memref<1x128x32xf32, #tpu.memory_space<vmem>> -> memref<128x32xf32, #tpu.memory_space<vmem>>
      %dma_start3A_680 = arith.constant 0 : i32
      %dma_start3A_681 = tpu.memref_slice %arg5[%add3A_674, %dma_start3A_680] : memref<200x128xi32, #tpu.memory_space<vmem>> -> memref<1x128xi32, #tpu.memory_space<vmem>>
      %dma_start3A_682 = tpu.memref_squeeze %dma_start3A_681 : memref<1x128xi32, #tpu.memory_space<vmem>> -> memref<128xi32, #tpu.memory_space<vmem>>
      %dma_start3A_683 = arith.constant 0 : i32
      %dma_start3A_684 = arith.constant 0 : i32
      %dma_start3A_685 = tpu.memref_slice %arg3[%dma_start3A_683, %dma_start3A_684] : memref<1000001x32xf32, #tpu.memory_space<hbm>> -> memref<1000001x32xf32, #tpu.memory_space<hbm>>
      tpu.enqueue_indirect_dma source(%dma_start3A_685 : memref<1000001x32xf32, #tpu.memory_space<hbm>>) target(%dma_start3A_679 : memref<128x32xf32, #tpu.memory_space<vmem>>) offsets(%dma_start3A_682 : memref<128xi32, #tpu.memory_space<vmem>>) semaphore(%arg8 : memref<!tpu.dma_semaphore, #tpu.memory_space<semaphore_mem>>)
      %dma_wait3A_686 = arith.constant 0 : i32
      %dma_wait3A_687 = arith.constant 0 : i32
      %dma_wait3A_688 = arith.constant 0 : i32
      %dma_wait3A_689 = tpu.memref_slice %arg6[%dma_wait3A_686, %dma_wait3A_687, %dma_wait3A_688] : memref<4x640x32xf32, #tpu.memory_space<vmem>> -> memref<1x640x32xf32, #tpu.memory_space<vmem>>
      %dma_wait3A_690 = tpu.memref_squeeze %dma_wait3A_689 : memref<1x640x32xf32, #tpu.memory_space<vmem>> -> memref<640x32xf32, #tpu.memory_space<vmem>>
      %dma_wait3A_691 = arith.constant 0 : i32
      %dma_wait3A_692 = arith.constant 0 : i32
      %dma_wait3A_693 = tpu.memref_slice %arg3[%dma_wait3A_691, %dma_wait3A_692] : memref<1000001x32xf32, #tpu.memory_space<hbm>> -> memref<640x32xf32, #tpu.memory_space<hbm>>
      %dma_wait3A_694 = arith.constant 0 : i32
      %dma_wait3A_695 = arith.constant 0 : i32
      %dma_wait3A_696 = tpu.memref_slice %arg6[%dma_wait3A_686, %dma_wait3A_694, %dma_wait3A_695] : memref<4x640x32xf32, #tpu.memory_space<vmem>> -> memref<1x640x32xf32, #tpu.memory_space<vmem>>
      %dma_wait3A_697 = tpu.memref_squeeze %dma_wait3A_696 : memref<1x640x32xf32, #tpu.memory_space<vmem>> -> memref<640x32xf32, #tpu.memory_space<vmem>>
      %dma_wait3A_698 = arith.constant 0 : i32
      %dma_wait3A_699 = arith.constant 0 : i32
      %dma_wait3A_700 = tpu.memref_slice %arg3[%dma_wait3A_698, %dma_wait3A_699] : memref<1000001x32xf32, #tpu.memory_space<hbm>> -> memref<640x32xf32, #tpu.memory_space<hbm>>
      tpu.wait_dma2 semaphore(%arg7 : memref<!tpu.dma_semaphore, #tpu.memory_space<semaphore_mem>>) src(%dma_wait3A_700 : memref<640x32xf32, #tpu.memory_space<hbm>>) dst(%dma_wait3A_697 : memref<640x32xf32, #tpu.memory_space<vmem>>)
      %add3A_701 = arith.constant 2 : i32
      %add3A_702 = arith.addi %add3A_431, %add3A_701 : i32
      %mul3A_703 = arith.constant 640 : i32
      %mul3A_704 = arith.muli %add3A_702, %mul3A_703 : i32
      %add3A_705 = arith.addi %mul3A_4, %mul3A_704 : i32
      %dma_start3A_706 = arith.constant 0 : i32
      %dma_start3A_707 = arith.constant 0 : i32
      %dma_start3A_708 = arith.constant 0 : i32
      %dma_start3A_709 = tpu.memref_slice %arg6[%dma_start3A_706, %dma_start3A_707, %dma_start3A_708] : memref<4x640x32xf32, #tpu.memory_space<vmem>> -> memref<1x640x32xf32, #tpu.memory_space<vmem>>
      %dma_start3A_710 = tpu.memref_squeeze %dma_start3A_709 : memref<1x640x32xf32, #tpu.memory_space<vmem>> -> memref<640x32xf32, #tpu.memory_space<vmem>>
      %dma_start3A_711 = arith.constant 0 : i32
      %dma_start3A_712 = tpu.memref_slice %arg4[%add3A_705, %dma_start3A_711] : memref<819200x32xf32, #tpu.memory_space<hbm>> -> memref<640x32xf32, #tpu.memory_space<hbm>>
      %dma_start3A_713 = arith.constant 0 : i32
      %dma_start3A_714 = tpu.memref_slice %arg4[%add3A_705, %dma_start3A_713] : memref<819200x32xf32, #tpu.memory_space<hbm>> -> memref<640x32xf32, #tpu.memory_space<hbm>>
      %dma_start3A_715 = arith.constant 0 : i32
      %dma_start3A_716 = arith.constant 0 : i32
      %dma_start3A_717 = tpu.memref_slice %arg6[%dma_start3A_706, %dma_start3A_715, %dma_start3A_716] : memref<4x640x32xf32, #tpu.memory_space<vmem>> -> memref<1x640x32xf32, #tpu.memory_space<vmem>>
      %dma_start3A_718 = tpu.memref_squeeze %dma_start3A_717 : memref<1x640x32xf32, #tpu.memory_space<vmem>> -> memref<640x32xf32, #tpu.memory_space<vmem>>
      tpu.enqueue_dma source(%dma_start3A_718 : memref<640x32xf32, #tpu.memory_space<vmem>>) target(%dma_start3A_714 : memref<640x32xf32, #tpu.memory_space<hbm>>) target_semaphore(%arg11 : memref<!tpu.dma_semaphore, #tpu.memory_space<semaphore_mem>>)
      %dma_wait3A_719 = arith.constant 2 : i32
      %dma_wait3A_720 = arith.constant 0 : i32
      %dma_wait3A_721 = arith.constant 0 : i32
      %dma_wait3A_722 = tpu.memref_slice %arg6[%dma_wait3A_719, %dma_wait3A_720, %dma_wait3A_721] : memref<4x640x32xf32, #tpu.memory_space<vmem>> -> memref<1x640x32xf32, #tpu.memory_space<vmem>>
      %dma_wait3A_723 = tpu.memref_squeeze %dma_wait3A_722 : memref<1x640x32xf32, #tpu.memory_space<vmem>> -> memref<640x32xf32, #tpu.memory_space<vmem>>
      %dma_wait3A_724 = arith.constant 0 : i32
      %dma_wait3A_725 = arith.constant 0 : i32
      %dma_wait3A_726 = tpu.memref_slice %arg4[%dma_wait3A_724, %dma_wait3A_725] : memref<819200x32xf32, #tpu.memory_space<hbm>> -> memref<640x32xf32, #tpu.memory_space<hbm>>
      %dma_wait3A_727 = arith.constant 0 : i32
      %dma_wait3A_728 = arith.constant 0 : i32
      %dma_wait3A_729 = tpu.memref_slice %arg4[%dma_wait3A_727, %dma_wait3A_728] : memref<819200x32xf32, #tpu.memory_space<hbm>> -> memref<640x32xf32, #tpu.memory_space<hbm>>
      %dma_wait3A_730 = arith.constant 0 : i32
      %dma_wait3A_731 = arith.constant 0 : i32
      %dma_wait3A_732 = tpu.memref_slice %arg6[%dma_wait3A_719, %dma_wait3A_730, %dma_wait3A_731] : memref<4x640x32xf32, #tpu.memory_space<vmem>> -> memref<1x640x32xf32, #tpu.memory_space<vmem>>
      %dma_wait3A_733 = tpu.memref_squeeze %dma_wait3A_732 : memref<1x640x32xf32, #tpu.memory_space<vmem>> -> memref<640x32xf32, #tpu.memory_space<vmem>>
      tpu.wait_dma2 semaphore(%arg13 : memref<!tpu.dma_semaphore, #tpu.memory_space<semaphore_mem>>) src(%dma_wait3A_733 : memref<640x32xf32, #tpu.memory_space<vmem>>) dst(%dma_wait3A_729 : memref<640x32xf32, #tpu.memory_space<hbm>>)
      %add3A_734 = arith.constant 2 : i32
      %add3A_735 = arith.addi %add3A_431, %add3A_734 : i32
      %add3A_736 = arith.constant 2 : i32
      %add3A_737 = arith.addi %add3A_735, %add3A_736 : i32
      %mul3A_738 = arith.constant 5 : i32
      %mul3A_739 = arith.muli %add3A_737, %mul3A_738 : i32
      %add3A_740 = arith.constant 0 : i32
      %add3A_741 = arith.addi %mul3A_739, %add3A_740 : i32
      %dma_start3A_742 = arith.constant 2 : i32
      %dma_start3A_743 = arith.constant 0 : i32
      %dma_start3A_744 = arith.constant 0 : i32
      %dma_start3A_745 = tpu.memref_slice %arg6[%dma_start3A_742, %dma_start3A_743, %dma_start3A_744] : memref<4x640x32xf32, #tpu.memory_space<vmem>> -> memref<1x128x32xf32, #tpu.memory_space<vmem>>
      %dma_start3A_746 = tpu.memref_squeeze %dma_start3A_745 : memref<1x128x32xf32, #tpu.memory_space<vmem>> -> memref<128x32xf32, #tpu.memory_space<vmem>>
      %dma_start3A_747 = arith.constant 0 : i32
      %dma_start3A_748 = tpu.memref_slice %arg5[%add3A_741, %dma_start3A_747] : memref<200x128xi32, #tpu.memory_space<vmem>> -> memref<1x128xi32, #tpu.memory_space<vmem>>
      %dma_start3A_749 = tpu.memref_squeeze %dma_start3A_748 : memref<1x128xi32, #tpu.memory_space<vmem>> -> memref<128xi32, #tpu.memory_space<vmem>>
      %dma_start3A_750 = arith.constant 0 : i32
      %dma_start3A_751 = arith.constant 0 : i32
      %dma_start3A_752 = tpu.memref_slice %arg3[%dma_start3A_750, %dma_start3A_751] : memref<1000001x32xf32, #tpu.memory_space<hbm>> -> memref<1000001x32xf32, #tpu.memory_space<hbm>>
      tpu.enqueue_indirect_dma source(%dma_start3A_752 : memref<1000001x32xf32, #tpu.memory_space<hbm>>) target(%dma_start3A_746 : memref<128x32xf32, #tpu.memory_space<vmem>>) offsets(%dma_start3A_749 : memref<128xi32, #tpu.memory_space<vmem>>) semaphore(%arg9 : memref<!tpu.dma_semaphore, #tpu.memory_space<semaphore_mem>>)
      %mul3A_753 = arith.constant 5 : i32
      %mul3A_754 = arith.muli %add3A_737, %mul3A_753 : i32
      %add3A_755 = arith.constant 1 : i32
      %add3A_756 = arith.addi %mul3A_754, %add3A_755 : i32
      %dma_start3A_757 = arith.constant 2 : i32
      %dma_start3A_758 = arith.constant 128 : i32
      %dma_start3A_759 = arith.constant 0 : i32
      %dma_start3A_760 = tpu.memref_slice %arg6[%dma_start3A_757, %dma_start3A_758, %dma_start3A_759] : memref<4x640x32xf32, #tpu.memory_space<vmem>> -> memref<1x128x32xf32, #tpu.memory_space<vmem>>
      %dma_start3A_761 = tpu.memref_squeeze %dma_start3A_760 : memref<1x128x32xf32, #tpu.memory_space<vmem>> -> memref<128x32xf32, #tpu.memory_space<vmem>>
      %dma_start3A_762 = arith.constant 0 : i32
      %dma_start3A_763 = tpu.memref_slice %arg5[%add3A_756, %dma_start3A_762] : memref<200x128xi32, #tpu.memory_space<vmem>> -> memref<1x128xi32, #tpu.memory_space<vmem>>
      %dma_start3A_764 = tpu.memref_squeeze %dma_start3A_763 : memref<1x128xi32, #tpu.memory_space<vmem>> -> memref<128xi32, #tpu.memory_space<vmem>>
      %dma_start3A_765 = arith.constant 0 : i32
      %dma_start3A_766 = arith.constant 0 : i32
      %dma_start3A_767 = tpu.memref_slice %arg3[%dma_start3A_765, %dma_start3A_766] : memref<1000001x32xf32, #tpu.memory_space<hbm>> -> memref<1000001x32xf32, #tpu.memory_space<hbm>>
      tpu.enqueue_indirect_dma source(%dma_start3A_767 : memref<1000001x32xf32, #tpu.memory_space<hbm>>) target(%dma_start3A_761 : memref<128x32xf32, #tpu.memory_space<vmem>>) offsets(%dma_start3A_764 : memref<128xi32, #tpu.memory_space<vmem>>) semaphore(%arg9 : memref<!tpu.dma_semaphore, #tpu.memory_space<semaphore_mem>>)
      %mul3A_768 = arith.constant 5 : i32
      %mul3A_769 = arith.muli %add3A_737, %mul3A_768 : i32
      %add3A_770 = arith.constant 2 : i32
      %add3A_771 = arith.addi %mul3A_769, %add3A_770 : i32
      %dma_start3A_772 = arith.constant 2 : i32
      %dma_start3A_773 = arith.constant 256 : i32
      %dma_start3A_774 = arith.constant 0 : i32
      %dma_start3A_775 = tpu.memref_slice %arg6[%dma_start3A_772, %dma_start3A_773, %dma_start3A_774] : memref<4x640x32xf32, #tpu.memory_space<vmem>> -> memref<1x128x32xf32, #tpu.memory_space<vmem>>
      %dma_start3A_776 = tpu.memref_squeeze %dma_start3A_775 : memref<1x128x32xf32, #tpu.memory_space<vmem>> -> memref<128x32xf32, #tpu.memory_space<vmem>>
      %dma_start3A_777 = arith.constant 0 : i32
      %dma_start3A_778 = tpu.memref_slice %arg5[%add3A_771, %dma_start3A_777] : memref<200x128xi32, #tpu.memory_space<vmem>> -> memref<1x128xi32, #tpu.memory_space<vmem>>
      %dma_start3A_779 = tpu.memref_squeeze %dma_start3A_778 : memref<1x128xi32, #tpu.memory_space<vmem>> -> memref<128xi32, #tpu.memory_space<vmem>>
      %dma_start3A_780 = arith.constant 0 : i32
      %dma_start3A_781 = arith.constant 0 : i32
      %dma_start3A_782 = tpu.memref_slice %arg3[%dma_start3A_780, %dma_start3A_781] : memref<1000001x32xf32, #tpu.memory_space<hbm>> -> memref<1000001x32xf32, #tpu.memory_space<hbm>>
      tpu.enqueue_indirect_dma source(%dma_start3A_782 : memref<1000001x32xf32, #tpu.memory_space<hbm>>) target(%dma_start3A_776 : memref<128x32xf32, #tpu.memory_space<vmem>>) offsets(%dma_start3A_779 : memref<128xi32, #tpu.memory_space<vmem>>) semaphore(%arg9 : memref<!tpu.dma_semaphore, #tpu.memory_space<semaphore_mem>>)
      %mul3A_783 = arith.constant 5 : i32
      %mul3A_784 = arith.muli %add3A_737, %mul3A_783 : i32
      %add3A_785 = arith.constant 3 : i32
      %add3A_786 = arith.addi %mul3A_784, %add3A_785 : i32
      %dma_start3A_787 = arith.constant 2 : i32
      %dma_start3A_788 = arith.constant 384 : i32
      %dma_start3A_789 = arith.constant 0 : i32
      %dma_start3A_790 = tpu.memref_slice %arg6[%dma_start3A_787, %dma_start3A_788, %dma_start3A_789] : memref<4x640x32xf32, #tpu.memory_space<vmem>> -> memref<1x128x32xf32, #tpu.memory_space<vmem>>
      %dma_start3A_791 = tpu.memref_squeeze %dma_start3A_790 : memref<1x128x32xf32, #tpu.memory_space<vmem>> -> memref<128x32xf32, #tpu.memory_space<vmem>>
      %dma_start3A_792 = arith.constant 0 : i32
      %dma_start3A_793 = tpu.memref_slice %arg5[%add3A_786, %dma_start3A_792] : memref<200x128xi32, #tpu.memory_space<vmem>> -> memref<1x128xi32, #tpu.memory_space<vmem>>
      %dma_start3A_794 = tpu.memref_squeeze %dma_start3A_793 : memref<1x128xi32, #tpu.memory_space<vmem>> -> memref<128xi32, #tpu.memory_space<vmem>>
      %dma_start3A_795 = arith.constant 0 : i32
      %dma_start3A_796 = arith.constant 0 : i32
      %dma_start3A_797 = tpu.memref_slice %arg3[%dma_start3A_795, %dma_start3A_796] : memref<1000001x32xf32, #tpu.memory_space<hbm>> -> memref<1000001x32xf32, #tpu.memory_space<hbm>>
      tpu.enqueue_indirect_dma source(%dma_start3A_797 : memref<1000001x32xf32, #tpu.memory_space<hbm>>) target(%dma_start3A_791 : memref<128x32xf32, #tpu.memory_space<vmem>>) offsets(%dma_start3A_794 : memref<128xi32, #tpu.memory_space<vmem>>) semaphore(%arg9 : memref<!tpu.dma_semaphore, #tpu.memory_space<semaphore_mem>>)
      %mul3A_798 = arith.constant 5 : i32
      %mul3A_799 = arith.muli %add3A_737, %mul3A_798 : i32
      %add3A_800 = arith.constant 4 : i32
      %add3A_801 = arith.addi %mul3A_799, %add3A_800 : i32
      %dma_start3A_802 = arith.constant 2 : i32
      %dma_start3A_803 = arith.constant 512 : i32
      %dma_start3A_804 = arith.constant 0 : i32
      %dma_start3A_805 = tpu.memref_slice %arg6[%dma_start3A_802, %dma_start3A_803, %dma_start3A_804] : memref<4x640x32xf32, #tpu.memory_space<vmem>> -> memref<1x128x32xf32, #tpu.memory_space<vmem>>
      %dma_start3A_806 = tpu.memref_squeeze %dma_start3A_805 : memref<1x128x32xf32, #tpu.memory_space<vmem>> -> memref<128x32xf32, #tpu.memory_space<vmem>>
      %dma_start3A_807 = arith.constant 0 : i32
      %dma_start3A_808 = tpu.memref_slice %arg5[%add3A_801, %dma_start3A_807] : memref<200x128xi32, #tpu.memory_space<vmem>> -> memref<1x128xi32, #tpu.memory_space<vmem>>
      %dma_start3A_809 = tpu.memref_squeeze %dma_start3A_808 : memref<1x128xi32, #tpu.memory_space<vmem>> -> memref<128xi32, #tpu.memory_space<vmem>>
      %dma_start3A_810 = arith.constant 0 : i32
      %dma_start3A_811 = arith.constant 0 : i32
      %dma_start3A_812 = tpu.memref_slice %arg3[%dma_start3A_810, %dma_start3A_811] : memref<1000001x32xf32, #tpu.memory_space<hbm>> -> memref<1000001x32xf32, #tpu.memory_space<hbm>>
      tpu.enqueue_indirect_dma source(%dma_start3A_812 : memref<1000001x32xf32, #tpu.memory_space<hbm>>) target(%dma_start3A_806 : memref<128x32xf32, #tpu.memory_space<vmem>>) offsets(%dma_start3A_809 : memref<128xi32, #tpu.memory_space<vmem>>) semaphore(%arg9 : memref<!tpu.dma_semaphore, #tpu.memory_space<semaphore_mem>>)
      %dma_wait3A_813 = arith.constant 1 : i32
      %dma_wait3A_814 = arith.constant 0 : i32
      %dma_wait3A_815 = arith.constant 0 : i32
      %dma_wait3A_816 = tpu.memref_slice %arg6[%dma_wait3A_813, %dma_wait3A_814, %dma_wait3A_815] : memref<4x640x32xf32, #tpu.memory_space<vmem>> -> memref<1x640x32xf32, #tpu.memory_space<vmem>>
      %dma_wait3A_817 = tpu.memref_squeeze %dma_wait3A_816 : memref<1x640x32xf32, #tpu.memory_space<vmem>> -> memref<640x32xf32, #tpu.memory_space<vmem>>
      %dma_wait3A_818 = arith.constant 0 : i32
      %dma_wait3A_819 = arith.constant 0 : i32
      %dma_wait3A_820 = tpu.memref_slice %arg3[%dma_wait3A_818, %dma_wait3A_819] : memref<1000001x32xf32, #tpu.memory_space<hbm>> -> memref<640x32xf32, #tpu.memory_space<hbm>>
      %dma_wait3A_821 = arith.constant 0 : i32
      %dma_wait3A_822 = arith.constant 0 : i32
      %dma_wait3A_823 = tpu.memref_slice %arg6[%dma_wait3A_813, %dma_wait3A_821, %dma_wait3A_822] : memref<4x640x32xf32, #tpu.memory_space<vmem>> -> memref<1x640x32xf32, #tpu.memory_space<vmem>>
      %dma_wait3A_824 = tpu.memref_squeeze %dma_wait3A_823 : memref<1x640x32xf32, #tpu.memory_space<vmem>> -> memref<640x32xf32, #tpu.memory_space<vmem>>
      %dma_wait3A_825 = arith.constant 0 : i32
      %dma_wait3A_826 = arith.constant 0 : i32
      %dma_wait3A_827 = tpu.memref_slice %arg3[%dma_wait3A_825, %dma_wait3A_826] : memref<1000001x32xf32, #tpu.memory_space<hbm>> -> memref<640x32xf32, #tpu.memory_space<hbm>>
      tpu.wait_dma2 semaphore(%arg8 : memref<!tpu.dma_semaphore, #tpu.memory_space<semaphore_mem>>) src(%dma_wait3A_827 : memref<640x32xf32, #tpu.memory_space<hbm>>) dst(%dma_wait3A_824 : memref<640x32xf32, #tpu.memory_space<vmem>>)
      %add3A_828 = arith.constant 3 : i32
      %add3A_829 = arith.addi %add3A_431, %add3A_828 : i32
      %mul3A_830 = arith.constant 640 : i32
      %mul3A_831 = arith.muli %add3A_829, %mul3A_830 : i32
      %add3A_832 = arith.addi %mul3A_4, %mul3A_831 : i32
      %dma_start3A_833 = arith.constant 1 : i32
      %dma_start3A_834 = arith.constant 0 : i32
      %dma_start3A_835 = arith.constant 0 : i32
      %dma_start3A_836 = tpu.memref_slice %arg6[%dma_start3A_833, %dma_start3A_834, %dma_start3A_835] : memref<4x640x32xf32, #tpu.memory_space<vmem>> -> memref<1x640x32xf32, #tpu.memory_space<vmem>>
      %dma_start3A_837 = tpu.memref_squeeze %dma_start3A_836 : memref<1x640x32xf32, #tpu.memory_space<vmem>> -> memref<640x32xf32, #tpu.memory_space<vmem>>
      %dma_start3A_838 = arith.constant 0 : i32
      %dma_start3A_839 = tpu.memref_slice %arg4[%add3A_832, %dma_start3A_838] : memref<819200x32xf32, #tpu.memory_space<hbm>> -> memref<640x32xf32, #tpu.memory_space<hbm>>
      %dma_start3A_840 = arith.constant 0 : i32
      %dma_start3A_841 = tpu.memref_slice %arg4[%add3A_832, %dma_start3A_840] : memref<819200x32xf32, #tpu.memory_space<hbm>> -> memref<640x32xf32, #tpu.memory_space<hbm>>
      %dma_start3A_842 = arith.constant 0 : i32
      %dma_start3A_843 = arith.constant 0 : i32
      %dma_start3A_844 = tpu.memref_slice %arg6[%dma_start3A_833, %dma_start3A_842, %dma_start3A_843] : memref<4x640x32xf32, #tpu.memory_space<vmem>> -> memref<1x640x32xf32, #tpu.memory_space<vmem>>
      %dma_start3A_845 = tpu.memref_squeeze %dma_start3A_844 : memref<1x640x32xf32, #tpu.memory_space<vmem>> -> memref<640x32xf32, #tpu.memory_space<vmem>>
      tpu.enqueue_dma source(%dma_start3A_845 : memref<640x32xf32, #tpu.memory_space<vmem>>) target(%dma_start3A_841 : memref<640x32xf32, #tpu.memory_space<hbm>>) target_semaphore(%arg12 : memref<!tpu.dma_semaphore, #tpu.memory_space<semaphore_mem>>)
      %dma_wait3A_846 = arith.constant 3 : i32
      %dma_wait3A_847 = arith.constant 0 : i32
      %dma_wait3A_848 = arith.constant 0 : i32
      %dma_wait3A_849 = tpu.memref_slice %arg6[%dma_wait3A_846, %dma_wait3A_847, %dma_wait3A_848] : memref<4x640x32xf32, #tpu.memory_space<vmem>> -> memref<1x640x32xf32, #tpu.memory_space<vmem>>
      %dma_wait3A_850 = tpu.memref_squeeze %dma_wait3A_849 : memref<1x640x32xf32, #tpu.memory_space<vmem>> -> memref<640x32xf32, #tpu.memory_space<vmem>>
      %dma_wait3A_851 = arith.constant 0 : i32
      %dma_wait3A_852 = arith.constant 0 : i32
      %dma_wait3A_853 = tpu.memref_slice %arg4[%dma_wait3A_851, %dma_wait3A_852] : memref<819200x32xf32, #tpu.memory_space<hbm>> -> memref<640x32xf32, #tpu.memory_space<hbm>>
      %dma_wait3A_854 = arith.constant 0 : i32
      %dma_wait3A_855 = arith.constant 0 : i32
      %dma_wait3A_856 = tpu.memref_slice %arg4[%dma_wait3A_854, %dma_wait3A_855] : memref<819200x32xf32, #tpu.memory_space<hbm>> -> memref<640x32xf32, #tpu.memory_space<hbm>>
      %dma_wait3A_857 = arith.constant 0 : i32
      %dma_wait3A_858 = arith.constant 0 : i32
      %dma_wait3A_859 = tpu.memref_slice %arg6[%dma_wait3A_846, %dma_wait3A_857, %dma_wait3A_858] : memref<4x640x32xf32, #tpu.memory_space<vmem>> -> memref<1x640x32xf32, #tpu.memory_space<vmem>>
      %dma_wait3A_860 = tpu.memref_squeeze %dma_wait3A_859 : memref<1x640x32xf32, #tpu.memory_space<vmem>> -> memref<640x32xf32, #tpu.memory_space<vmem>>
      tpu.wait_dma2 semaphore(%arg14 : memref<!tpu.dma_semaphore, #tpu.memory_space<semaphore_mem>>) src(%dma_wait3A_860 : memref<640x32xf32, #tpu.memory_space<vmem>>) dst(%dma_wait3A_856 : memref<640x32xf32, #tpu.memory_space<hbm>>)
      %add3A_861 = arith.constant 3 : i32
      %add3A_862 = arith.addi %add3A_431, %add3A_861 : i32
      %add3A_863 = arith.constant 2 : i32
      %add3A_864 = arith.addi %add3A_862, %add3A_863 : i32
      %mul3A_865 = arith.constant 5 : i32
      %mul3A_866 = arith.muli %add3A_864, %mul3A_865 : i32
      %add3A_867 = arith.constant 0 : i32
      %add3A_868 = arith.addi %mul3A_866, %add3A_867 : i32
      %dma_start3A_869 = arith.constant 3 : i32
      %dma_start3A_870 = arith.constant 0 : i32
      %dma_start3A_871 = arith.constant 0 : i32
      %dma_start3A_872 = tpu.memref_slice %arg6[%dma_start3A_869, %dma_start3A_870, %dma_start3A_871] : memref<4x640x32xf32, #tpu.memory_space<vmem>> -> memref<1x128x32xf32, #tpu.memory_space<vmem>>
      %dma_start3A_873 = tpu.memref_squeeze %dma_start3A_872 : memref<1x128x32xf32, #tpu.memory_space<vmem>> -> memref<128x32xf32, #tpu.memory_space<vmem>>
      %dma_start3A_874 = arith.constant 0 : i32
      %dma_start3A_875 = tpu.memref_slice %arg5[%add3A_868, %dma_start3A_874] : memref<200x128xi32, #tpu.memory_space<vmem>> -> memref<1x128xi32, #tpu.memory_space<vmem>>
      %dma_start3A_876 = tpu.memref_squeeze %dma_start3A_875 : memref<1x128xi32, #tpu.memory_space<vmem>> -> memref<128xi32, #tpu.memory_space<vmem>>
      %dma_start3A_877 = arith.constant 0 : i32
      %dma_start3A_878 = arith.constant 0 : i32
      %dma_start3A_879 = tpu.memref_slice %arg3[%dma_start3A_877, %dma_start3A_878] : memref<1000001x32xf32, #tpu.memory_space<hbm>> -> memref<1000001x32xf32, #tpu.memory_space<hbm>>
      tpu.enqueue_indirect_dma source(%dma_start3A_879 : memref<1000001x32xf32, #tpu.memory_space<hbm>>) target(%dma_start3A_873 : memref<128x32xf32, #tpu.memory_space<vmem>>) offsets(%dma_start3A_876 : memref<128xi32, #tpu.memory_space<vmem>>) semaphore(%arg10 : memref<!tpu.dma_semaphore, #tpu.memory_space<semaphore_mem>>)
      %mul3A_880 = arith.constant 5 : i32
      %mul3A_881 = arith.muli %add3A_864, %mul3A_880 : i32
      %add3A_882 = arith.constant 1 : i32
      %add3A_883 = arith.addi %mul3A_881, %add3A_882 : i32
      %dma_start3A_884 = arith.constant 3 : i32
      %dma_start3A_885 = arith.constant 128 : i32
      %dma_start3A_886 = arith.constant 0 : i32
      %dma_start3A_887 = tpu.memref_slice %arg6[%dma_start3A_884, %dma_start3A_885, %dma_start3A_886] : memref<4x640x32xf32, #tpu.memory_space<vmem>> -> memref<1x128x32xf32, #tpu.memory_space<vmem>>
      %dma_start3A_888 = tpu.memref_squeeze %dma_start3A_887 : memref<1x128x32xf32, #tpu.memory_space<vmem>> -> memref<128x32xf32, #tpu.memory_space<vmem>>
      %dma_start3A_889 = arith.constant 0 : i32
      %dma_start3A_890 = tpu.memref_slice %arg5[%add3A_883, %dma_start3A_889] : memref<200x128xi32, #tpu.memory_space<vmem>> -> memref<1x128xi32, #tpu.memory_space<vmem>>
      %dma_start3A_891 = tpu.memref_squeeze %dma_start3A_890 : memref<1x128xi32, #tpu.memory_space<vmem>> -> memref<128xi32, #tpu.memory_space<vmem>>
      %dma_start3A_892 = arith.constant 0 : i32
      %dma_start3A_893 = arith.constant 0 : i32
      %dma_start3A_894 = tpu.memref_slice %arg3[%dma_start3A_892, %dma_start3A_893] : memref<1000001x32xf32, #tpu.memory_space<hbm>> -> memref<1000001x32xf32, #tpu.memory_space<hbm>>
      tpu.enqueue_indirect_dma source(%dma_start3A_894 : memref<1000001x32xf32, #tpu.memory_space<hbm>>) target(%dma_start3A_888 : memref<128x32xf32, #tpu.memory_space<vmem>>) offsets(%dma_start3A_891 : memref<128xi32, #tpu.memory_space<vmem>>) semaphore(%arg10 : memref<!tpu.dma_semaphore, #tpu.memory_space<semaphore_mem>>)
      %mul3A_895 = arith.constant 5 : i32
      %mul3A_896 = arith.muli %add3A_864, %mul3A_895 : i32
      %add3A_897 = arith.constant 2 : i32
      %add3A_898 = arith.addi %mul3A_896, %add3A_897 : i32
      %dma_start3A_899 = arith.constant 3 : i32
      %dma_start3A_900 = arith.constant 256 : i32
      %dma_start3A_901 = arith.constant 0 : i32
      %dma_start3A_902 = tpu.memref_slice %arg6[%dma_start3A_899, %dma_start3A_900, %dma_start3A_901] : memref<4x640x32xf32, #tpu.memory_space<vmem>> -> memref<1x128x32xf32, #tpu.memory_space<vmem>>
      %dma_start3A_903 = tpu.memref_squeeze %dma_start3A_902 : memref<1x128x32xf32, #tpu.memory_space<vmem>> -> memref<128x32xf32, #tpu.memory_space<vmem>>
      %dma_start3A_904 = arith.constant 0 : i32
      %dma_start3A_905 = tpu.memref_slice %arg5[%add3A_898, %dma_start3A_904] : memref<200x128xi32, #tpu.memory_space<vmem>> -> memref<1x128xi32, #tpu.memory_space<vmem>>
      %dma_start3A_906 = tpu.memref_squeeze %dma_start3A_905 : memref<1x128xi32, #tpu.memory_space<vmem>> -> memref<128xi32, #tpu.memory_space<vmem>>
      %dma_start3A_907 = arith.constant 0 : i32
      %dma_start3A_908 = arith.constant 0 : i32
      %dma_start3A_909 = tpu.memref_slice %arg3[%dma_start3A_907, %dma_start3A_908] : memref<1000001x32xf32, #tpu.memory_space<hbm>> -> memref<1000001x32xf32, #tpu.memory_space<hbm>>
      tpu.enqueue_indirect_dma source(%dma_start3A_909 : memref<1000001x32xf32, #tpu.memory_space<hbm>>) target(%dma_start3A_903 : memref<128x32xf32, #tpu.memory_space<vmem>>) offsets(%dma_start3A_906 : memref<128xi32, #tpu.memory_space<vmem>>) semaphore(%arg10 : memref<!tpu.dma_semaphore, #tpu.memory_space<semaphore_mem>>)
      %mul3A_910 = arith.constant 5 : i32
      %mul3A_911 = arith.muli %add3A_864, %mul3A_910 : i32
      %add3A_912 = arith.constant 3 : i32
      %add3A_913 = arith.addi %mul3A_911, %add3A_912 : i32
      %dma_start3A_914 = arith.constant 3 : i32
      %dma_start3A_915 = arith.constant 384 : i32
      %dma_start3A_916 = arith.constant 0 : i32
      %dma_start3A_917 = tpu.memref_slice %arg6[%dma_start3A_914, %dma_start3A_915, %dma_start3A_916] : memref<4x640x32xf32, #tpu.memory_space<vmem>> -> memref<1x128x32xf32, #tpu.memory_space<vmem>>
      %dma_start3A_918 = tpu.memref_squeeze %dma_start3A_917 : memref<1x128x32xf32, #tpu.memory_space<vmem>> -> memref<128x32xf32, #tpu.memory_space<vmem>>
      %dma_start3A_919 = arith.constant 0 : i32
      %dma_start3A_920 = tpu.memref_slice %arg5[%add3A_913, %dma_start3A_919] : memref<200x128xi32, #tpu.memory_space<vmem>> -> memref<1x128xi32, #tpu.memory_space<vmem>>
      %dma_start3A_921 = tpu.memref_squeeze %dma_start3A_920 : memref<1x128xi32, #tpu.memory_space<vmem>> -> memref<128xi32, #tpu.memory_space<vmem>>
      %dma_start3A_922 = arith.constant 0 : i32
      %dma_start3A_923 = arith.constant 0 : i32
      %dma_start3A_924 = tpu.memref_slice %arg3[%dma_start3A_922, %dma_start3A_923] : memref<1000001x32xf32, #tpu.memory_space<hbm>> -> memref<1000001x32xf32, #tpu.memory_space<hbm>>
      tpu.enqueue_indirect_dma source(%dma_start3A_924 : memref<1000001x32xf32, #tpu.memory_space<hbm>>) target(%dma_start3A_918 : memref<128x32xf32, #tpu.memory_space<vmem>>) offsets(%dma_start3A_921 : memref<128xi32, #tpu.memory_space<vmem>>) semaphore(%arg10 : memref<!tpu.dma_semaphore, #tpu.memory_space<semaphore_mem>>)
      %mul3A_925 = arith.constant 5 : i32
      %mul3A_926 = arith.muli %add3A_864, %mul3A_925 : i32
      %add3A_927 = arith.constant 4 : i32
      %add3A_928 = arith.addi %mul3A_926, %add3A_927 : i32
      %dma_start3A_929 = arith.constant 3 : i32
      %dma_start3A_930 = arith.constant 512 : i32
      %dma_start3A_931 = arith.constant 0 : i32
      %dma_start3A_932 = tpu.memref_slice %arg6[%dma_start3A_929, %dma_start3A_930, %dma_start3A_931] : memref<4x640x32xf32, #tpu.memory_space<vmem>> -> memref<1x128x32xf32, #tpu.memory_space<vmem>>
      %dma_start3A_933 = tpu.memref_squeeze %dma_start3A_932 : memref<1x128x32xf32, #tpu.memory_space<vmem>> -> memref<128x32xf32, #tpu.memory_space<vmem>>
      %dma_start3A_934 = arith.constant 0 : i32
      %dma_start3A_935 = tpu.memref_slice %arg5[%add3A_928, %dma_start3A_934] : memref<200x128xi32, #tpu.memory_space<vmem>> -> memref<1x128xi32, #tpu.memory_space<vmem>>
      %dma_start3A_936 = tpu.memref_squeeze %dma_start3A_935 : memref<1x128xi32, #tpu.memory_space<vmem>> -> memref<128xi32, #tpu.memory_space<vmem>>
      %dma_start3A_937 = arith.constant 0 : i32
      %dma_start3A_938 = arith.constant 0 : i32
      %dma_start3A_939 = tpu.memref_slice %arg3[%dma_start3A_937, %dma_start3A_938] : memref<1000001x32xf32, #tpu.memory_space<hbm>> -> memref<1000001x32xf32, #tpu.memory_space<hbm>>
      tpu.enqueue_indirect_dma source(%dma_start3A_939 : memref<1000001x32xf32, #tpu.memory_space<hbm>>) target(%dma_start3A_933 : memref<128x32xf32, #tpu.memory_space<vmem>>) offsets(%dma_start3A_936 : memref<128xi32, #tpu.memory_space<vmem>>) semaphore(%arg10 : memref<!tpu.dma_semaphore, #tpu.memory_space<semaphore_mem>>)
    }
    %scan3A_306 = arith.constant 9 : i32
    %dma_wait3A_307 = arith.constant 2 : i32
    %dma_wait3A_308 = arith.constant 0 : i32
    %dma_wait3A_309 = arith.constant 0 : i32
    %dma_wait3A_310 = tpu.memref_slice %arg6[%dma_wait3A_307, %dma_wait3A_308, %dma_wait3A_309] : memref<4x640x32xf32, #tpu.memory_space<vmem>> -> memref<1x640x32xf32, #tpu.memory_space<vmem>>
    %dma_wait3A_311 = tpu.memref_squeeze %dma_wait3A_310 : memref<1x640x32xf32, #tpu.memory_space<vmem>> -> memref<640x32xf32, #tpu.memory_space<vmem>>
    %dma_wait3A_312 = arith.constant 0 : i32
    %dma_wait3A_313 = arith.constant 0 : i32
    %dma_wait3A_314 = tpu.memref_slice %arg3[%dma_wait3A_312, %dma_wait3A_313] : memref<1000001x32xf32, #tpu.memory_space<hbm>> -> memref<640x32xf32, #tpu.memory_space<hbm>>
    %dma_wait3A_315 = arith.constant 0 : i32
    %dma_wait3A_316 = arith.constant 0 : i32
    %dma_wait3A_317 = tpu.memref_slice %arg6[%dma_wait3A_307, %dma_wait3A_315, %dma_wait3A_316] : memref<4x640x32xf32, #tpu.memory_space<vmem>> -> memref<1x640x32xf32, #tpu.memory_space<vmem>>
    %dma_wait3A_318 = tpu.memref_squeeze %dma_wait3A_317 : memref<1x640x32xf32, #tpu.memory_space<vmem>> -> memref<640x32xf32, #tpu.memory_space<vmem>>
    %dma_wait3A_319 = arith.constant 0 : i32
    %dma_wait3A_320 = arith.constant 0 : i32
    %dma_wait3A_321 = tpu.memref_slice %arg3[%dma_wait3A_319, %dma_wait3A_320] : memref<1000001x32xf32, #tpu.memory_space<hbm>> -> memref<640x32xf32, #tpu.memory_space<hbm>>
    tpu.wait_dma2 semaphore(%arg9 : memref<!tpu.dma_semaphore, #tpu.memory_space<semaphore_mem>>) src(%dma_wait3A_321 : memref<640x32xf32, #tpu.memory_space<hbm>>) dst(%dma_wait3A_318 : memref<640x32xf32, #tpu.memory_space<vmem>>)
    %add3A_322 = arith.constant 24320 : i32
    %add3A_323 = arith.addi %mul3A_4, %add3A_322 : i32
    %dma_start3A_324 = arith.constant 2 : i32
    %dma_start3A_325 = arith.constant 0 : i32
    %dma_start3A_326 = arith.constant 0 : i32
    %dma_start3A_327 = tpu.memref_slice %arg6[%dma_start3A_324, %dma_start3A_325, %dma_start3A_326] : memref<4x640x32xf32, #tpu.memory_space<vmem>> -> memref<1x640x32xf32, #tpu.memory_space<vmem>>
    %dma_start3A_328 = tpu.memref_squeeze %dma_start3A_327 : memref<1x640x32xf32, #tpu.memory_space<vmem>> -> memref<640x32xf32, #tpu.memory_space<vmem>>
    %dma_start3A_329 = arith.constant 0 : i32
    %dma_start3A_330 = tpu.memref_slice %arg4[%add3A_323, %dma_start3A_329] : memref<819200x32xf32, #tpu.memory_space<hbm>> -> memref<640x32xf32, #tpu.memory_space<hbm>>
    %dma_start3A_331 = arith.constant 0 : i32
    %dma_start3A_332 = tpu.memref_slice %arg4[%add3A_323, %dma_start3A_331] : memref<819200x32xf32, #tpu.memory_space<hbm>> -> memref<640x32xf32, #tpu.memory_space<hbm>>
    %dma_start3A_333 = arith.constant 0 : i32
    %dma_start3A_334 = arith.constant 0 : i32
    %dma_start3A_335 = tpu.memref_slice %arg6[%dma_start3A_324, %dma_start3A_333, %dma_start3A_334] : memref<4x640x32xf32, #tpu.memory_space<vmem>> -> memref<1x640x32xf32, #tpu.memory_space<vmem>>
    %dma_start3A_336 = tpu.memref_squeeze %dma_start3A_335 : memref<1x640x32xf32, #tpu.memory_space<vmem>> -> memref<640x32xf32, #tpu.memory_space<vmem>>
    tpu.enqueue_dma source(%dma_start3A_336 : memref<640x32xf32, #tpu.memory_space<vmem>>) target(%dma_start3A_332 : memref<640x32xf32, #tpu.memory_space<hbm>>) target_semaphore(%arg13 : memref<!tpu.dma_semaphore, #tpu.memory_space<semaphore_mem>>)
    %dma_wait3A_337 = arith.constant 3 : i32
    %dma_wait3A_338 = arith.constant 0 : i32
    %dma_wait3A_339 = arith.constant 0 : i32
    %dma_wait3A_340 = tpu.memref_slice %arg6[%dma_wait3A_337, %dma_wait3A_338, %dma_wait3A_339] : memref<4x640x32xf32, #tpu.memory_space<vmem>> -> memref<1x640x32xf32, #tpu.memory_space<vmem>>
    %dma_wait3A_341 = tpu.memref_squeeze %dma_wait3A_340 : memref<1x640x32xf32, #tpu.memory_space<vmem>> -> memref<640x32xf32, #tpu.memory_space<vmem>>
    %dma_wait3A_342 = arith.constant 0 : i32
    %dma_wait3A_343 = arith.constant 0 : i32
    %dma_wait3A_344 = tpu.memref_slice %arg3[%dma_wait3A_342, %dma_wait3A_343] : memref<1000001x32xf32, #tpu.memory_space<hbm>> -> memref<640x32xf32, #tpu.memory_space<hbm>>
    %dma_wait3A_345 = arith.constant 0 : i32
    %dma_wait3A_346 = arith.constant 0 : i32
    %dma_wait3A_347 = tpu.memref_slice %arg6[%dma_wait3A_337, %dma_wait3A_345, %dma_wait3A_346] : memref<4x640x32xf32, #tpu.memory_space<vmem>> -> memref<1x640x32xf32, #tpu.memory_space<vmem>>
    %dma_wait3A_348 = tpu.memref_squeeze %dma_wait3A_347 : memref<1x640x32xf32, #tpu.memory_space<vmem>> -> memref<640x32xf32, #tpu.memory_space<vmem>>
    %dma_wait3A_349 = arith.constant 0 : i32
    %dma_wait3A_350 = arith.constant 0 : i32
    %dma_wait3A_351 = tpu.memref_slice %arg3[%dma_wait3A_349, %dma_wait3A_350] : memref<1000001x32xf32, #tpu.memory_space<hbm>> -> memref<640x32xf32, #tpu.memory_space<hbm>>
    tpu.wait_dma2 semaphore(%arg10 : memref<!tpu.dma_semaphore, #tpu.memory_space<semaphore_mem>>) src(%dma_wait3A_351 : memref<640x32xf32, #tpu.memory_space<hbm>>) dst(%dma_wait3A_348 : memref<640x32xf32, #tpu.memory_space<vmem>>)
    %add3A_352 = arith.constant 24960 : i32
    %add3A_353 = arith.addi %mul3A_4, %add3A_352 : i32
    %dma_start3A_354 = arith.constant 3 : i32
    %dma_start3A_355 = arith.constant 0 : i32
    %dma_start3A_356 = arith.constant 0 : i32
    %dma_start3A_357 = tpu.memref_slice %arg6[%dma_start3A_354, %dma_start3A_355, %dma_start3A_356] : memref<4x640x32xf32, #tpu.memory_space<vmem>> -> memref<1x640x32xf32, #tpu.memory_space<vmem>>
    %dma_start3A_358 = tpu.memref_squeeze %dma_start3A_357 : memref<1x640x32xf32, #tpu.memory_space<vmem>> -> memref<640x32xf32, #tpu.memory_space<vmem>>
    %dma_start3A_359 = arith.constant 0 : i32
    %dma_start3A_360 = tpu.memref_slice %arg4[%add3A_353, %dma_start3A_359] : memref<819200x32xf32, #tpu.memory_space<hbm>> -> memref<640x32xf32, #tpu.memory_space<hbm>>
    %dma_start3A_361 = arith.constant 0 : i32
    %dma_start3A_362 = tpu.memref_slice %arg4[%add3A_353, %dma_start3A_361] : memref<819200x32xf32, #tpu.memory_space<hbm>> -> memref<640x32xf32, #tpu.memory_space<hbm>>
    %dma_start3A_363 = arith.constant 0 : i32
    %dma_start3A_364 = arith.constant 0 : i32
    %dma_start3A_365 = tpu.memref_slice %arg6[%dma_start3A_354, %dma_start3A_363, %dma_start3A_364] : memref<4x640x32xf32, #tpu.memory_space<vmem>> -> memref<1x640x32xf32, #tpu.memory_space<vmem>>
    %dma_start3A_366 = tpu.memref_squeeze %dma_start3A_365 : memref<1x640x32xf32, #tpu.memory_space<vmem>> -> memref<640x32xf32, #tpu.memory_space<vmem>>
    tpu.enqueue_dma source(%dma_start3A_366 : memref<640x32xf32, #tpu.memory_space<vmem>>) target(%dma_start3A_362 : memref<640x32xf32, #tpu.memory_space<hbm>>) target_semaphore(%arg14 : memref<!tpu.dma_semaphore, #tpu.memory_space<semaphore_mem>>)
    %dma_wait3A_367 = arith.constant 0 : i32
    %dma_wait3A_368 = arith.constant 0 : i32
    %dma_wait3A_369 = arith.constant 0 : i32
    %dma_wait3A_370 = tpu.memref_slice %arg6[%dma_wait3A_367, %dma_wait3A_368, %dma_wait3A_369] : memref<4x640x32xf32, #tpu.memory_space<vmem>> -> memref<1x640x32xf32, #tpu.memory_space<vmem>>
    %dma_wait3A_371 = tpu.memref_squeeze %dma_wait3A_370 : memref<1x640x32xf32, #tpu.memory_space<vmem>> -> memref<640x32xf32, #tpu.memory_space<vmem>>
    %dma_wait3A_372 = arith.constant 0 : i32
    %dma_wait3A_373 = arith.constant 0 : i32
    %dma_wait3A_374 = tpu.memref_slice %arg4[%dma_wait3A_372, %dma_wait3A_373] : memref<819200x32xf32, #tpu.memory_space<hbm>> -> memref<640x32xf32, #tpu.memory_space<hbm>>
    %dma_wait3A_375 = arith.constant 0 : i32
    %dma_wait3A_376 = arith.constant 0 : i32
    %dma_wait3A_377 = tpu.memref_slice %arg4[%dma_wait3A_375, %dma_wait3A_376] : memref<819200x32xf32, #tpu.memory_space<hbm>> -> memref<640x32xf32, #tpu.memory_space<hbm>>
    %dma_wait3A_378 = arith.constant 0 : i32
    %dma_wait3A_379 = arith.constant 0 : i32
    %dma_wait3A_380 = tpu.memref_slice %arg6[%dma_wait3A_367, %dma_wait3A_378, %dma_wait3A_379] : memref<4x640x32xf32, #tpu.memory_space<vmem>> -> memref<1x640x32xf32, #tpu.memory_space<vmem>>
    %dma_wait3A_381 = tpu.memref_squeeze %dma_wait3A_380 : memref<1x640x32xf32, #tpu.memory_space<vmem>> -> memref<640x32xf32, #tpu.memory_space<vmem>>
    tpu.wait_dma2 semaphore(%arg11 : memref<!tpu.dma_semaphore, #tpu.memory_space<semaphore_mem>>) src(%dma_wait3A_381 : memref<640x32xf32, #tpu.memory_space<vmem>>) dst(%dma_wait3A_377 : memref<640x32xf32, #tpu.memory_space<hbm>>)
    %dma_wait3A_382 = arith.constant 1 : i32
    %dma_wait3A_383 = arith.constant 0 : i32
    %dma_wait3A_384 = arith.constant 0 : i32
    %dma_wait3A_385 = tpu.memref_slice %arg6[%dma_wait3A_382, %dma_wait3A_383, %dma_wait3A_384] : memref<4x640x32xf32, #tpu.memory_space<vmem>> -> memref<1x640x32xf32, #tpu.memory_space<vmem>>
    %dma_wait3A_386 = tpu.memref_squeeze %dma_wait3A_385 : memref<1x640x32xf32, #tpu.memory_space<vmem>> -> memref<640x32xf32, #tpu.memory_space<vmem>>
    %dma_wait3A_387 = arith.constant 0 : i32
    %dma_wait3A_388 = arith.constant 0 : i32
    %dma_wait3A_389 = tpu.memref_slice %arg4[%dma_wait3A_387, %dma_wait3A_388] : memref<819200x32xf32, #tpu.memory_space<hbm>> -> memref<640x32xf32, #tpu.memory_space<hbm>>
    %dma_wait3A_390 = arith.constant 0 : i32
    %dma_wait3A_391 = arith.constant 0 : i32
    %dma_wait3A_392 = tpu.memref_slice %arg4[%dma_wait3A_390, %dma_wait3A_391] : memref<819200x32xf32, #tpu.memory_space<hbm>> -> memref<640x32xf32, #tpu.memory_space<hbm>>
    %dma_wait3A_393 = arith.constant 0 : i32
    %dma_wait3A_394 = arith.constant 0 : i32
    %dma_wait3A_395 = tpu.memref_slice %arg6[%dma_wait3A_382, %dma_wait3A_393, %dma_wait3A_394] : memref<4x640x32xf32, #tpu.memory_space<vmem>> -> memref<1x640x32xf32, #tpu.memory_space<vmem>>
    %dma_wait3A_396 = tpu.memref_squeeze %dma_wait3A_395 : memref<1x640x32xf32, #tpu.memory_space<vmem>> -> memref<640x32xf32, #tpu.memory_space<vmem>>
    tpu.wait_dma2 semaphore(%arg12 : memref<!tpu.dma_semaphore, #tpu.memory_space<semaphore_mem>>) src(%dma_wait3A_396 : memref<640x32xf32, #tpu.memory_space<vmem>>) dst(%dma_wait3A_392 : memref<640x32xf32, #tpu.memory_space<hbm>>)
    %dma_wait3A_397 = arith.constant 2 : i32
    %dma_wait3A_398 = arith.constant 0 : i32
    %dma_wait3A_399 = arith.constant 0 : i32
    %dma_wait3A_400 = tpu.memref_slice %arg6[%dma_wait3A_397, %dma_wait3A_398, %dma_wait3A_399] : memref<4x640x32xf32, #tpu.memory_space<vmem>> -> memref<1x640x32xf32, #tpu.memory_space<vmem>>
    %dma_wait3A_401 = tpu.memref_squeeze %dma_wait3A_400 : memref<1x640x32xf32, #tpu.memory_space<vmem>> -> memref<640x32xf32, #tpu.memory_space<vmem>>
    %dma_wait3A_402 = arith.constant 0 : i32
    %dma_wait3A_403 = arith.constant 0 : i32
    %dma_wait3A_404 = tpu.memref_slice %arg4[%dma_wait3A_402, %dma_wait3A_403] : memref<819200x32xf32, #tpu.memory_space<hbm>> -> memref<640x32xf32, #tpu.memory_space<hbm>>
    %dma_wait3A_405 = arith.constant 0 : i32
    %dma_wait3A_406 = arith.constant 0 : i32
    %dma_wait3A_407 = tpu.memref_slice %arg4[%dma_wait3A_405, %dma_wait3A_406] : memref<819200x32xf32, #tpu.memory_space<hbm>> -> memref<640x32xf32, #tpu.memory_space<hbm>>
    %dma_wait3A_408 = arith.constant 0 : i32
    %dma_wait3A_409 = arith.constant 0 : i32
    %dma_wait3A_410 = tpu.memref_slice %arg6[%dma_wait3A_397, %dma_wait3A_408, %dma_wait3A_409] : memref<4x640x32xf32, #tpu.memory_space<vmem>> -> memref<1x640x32xf32, #tpu.memory_space<vmem>>
    %dma_wait3A_411 = tpu.memref_squeeze %dma_wait3A_410 : memref<1x640x32xf32, #tpu.memory_space<vmem>> -> memref<640x32xf32, #tpu.memory_space<vmem>>
    tpu.wait_dma2 semaphore(%arg13 : memref<!tpu.dma_semaphore, #tpu.memory_space<semaphore_mem>>) src(%dma_wait3A_411 : memref<640x32xf32, #tpu.memory_space<vmem>>) dst(%dma_wait3A_407 : memref<640x32xf32, #tpu.memory_space<hbm>>)
    %dma_wait3A_412 = arith.constant 3 : i32
    %dma_wait3A_413 = arith.constant 0 : i32
    %dma_wait3A_414 = arith.constant 0 : i32
    %dma_wait3A_415 = tpu.memref_slice %arg6[%dma_wait3A_412, %dma_wait3A_413, %dma_wait3A_414] : memref<4x640x32xf32, #tpu.memory_space<vmem>> -> memref<1x640x32xf32, #tpu.memory_space<vmem>>
    %dma_wait3A_416 = tpu.memref_squeeze %dma_wait3A_415 : memref<1x640x32xf32, #tpu.memory_space<vmem>> -> memref<640x32xf32, #tpu.memory_space<vmem>>
    %dma_wait3A_417 = arith.constant 0 : i32
    %dma_wait3A_418 = arith.constant 0 : i32
    %dma_wait3A_419 = tpu.memref_slice %arg4[%dma_wait3A_417, %dma_wait3A_418] : memref<819200x32xf32, #tpu.memory_space<hbm>> -> memref<640x32xf32, #tpu.memory_space<hbm>>
    %dma_wait3A_420 = arith.constant 0 : i32
    %dma_wait3A_421 = arith.constant 0 : i32
    %dma_wait3A_422 = tpu.memref_slice %arg4[%dma_wait3A_420, %dma_wait3A_421] : memref<819200x32xf32, #tpu.memory_space<hbm>> -> memref<640x32xf32, #tpu.memory_space<hbm>>
    %dma_wait3A_423 = arith.constant 0 : i32
    %dma_wait3A_424 = arith.constant 0 : i32
    %dma_wait3A_425 = tpu.memref_slice %arg6[%dma_wait3A_412, %dma_wait3A_423, %dma_wait3A_424] : memref<4x640x32xf32, #tpu.memory_space<vmem>> -> memref<1x640x32xf32, #tpu.memory_space<vmem>>
    %dma_wait3A_426 = tpu.memref_squeeze %dma_wait3A_425 : memref<1x640x32xf32, #tpu.memory_space<vmem>> -> memref<640x32xf32, #tpu.memory_space<vmem>>
    tpu.wait_dma2 semaphore(%arg14 : memref<!tpu.dma_semaphore, #tpu.memory_space<semaphore_mem>>) src(%dma_wait3A_426 : memref<640x32xf32, #tpu.memory_space<vmem>>) dst(%dma_wait3A_422 : memref<640x32xf32, #tpu.memory_space<hbm>>)
    return
  }
}

</mosaic_0001>

<sc_bundles>
// kernel: kernel.3.cloned.1.call-start
scs
__scs_entry_jumppad:
0x0: {  	(pc) =	sbr.rel $0x88, $3  }
0x1: {  	(tag) =	ssettag $0x0;
	lr =	simm.s32 $0x1  }
0x2: {  	[smem:$0x3F9F] =	sst lr;
	_ =	strace $0xD0000000  }
0x3: {  	_ = 	snop  }
0x4: {  	_ = 	snop  }
0x5: {  	_ = 	snop  }
0x6: {  	_ = 	snop  }
0x7: {  	_ = 	snop  }
__scs_overlays_trampoline_lowered:
0x8: {  	[smem:$0x3FAE] =	sst s0  }
0x9: {  	[smem:$0x3FAF] =	sst s1  }
0xa: {  	[smem:$0x3FB0] =	sst s2  }
0xb: {  	[smem:$0x3FB1] =	sst s3  }
0xc: {  	[smem:$0x3FB2] =	sst s4  }
0xd: {  	[smem:$0x3FB3] =	sst s5  }
0xe: {  	[smem:$0x3FB4] =	sst s6  }
0xf: {  	[smem:$0x3FB5] =	sst s7  }
0x10: {  	[smem:$0x3FB6] =	sst s8  }
0x11: {  	[smem:$0x3FB7] =	sst s9;
	s0 =	simm.s32 @!p0 $0x0  }
0x12: {  	s1 =	sld [smem:$0x3F9D];
	s0 =	simm.s32 @p0 $0x1  }
0x13: {  	[smem:$0x3FB8] =	sst s0;
	s0 =	simm.s32 @!p1 $0x0  }
0x14: {  	s2 =	sld [smem:$0x3F9C];
	s0 =	simm.s32 @p1 $0x1  }
0x15: {  	[smem:$0x3FB9] =	sst s0;
	s0 =	simm.s32 @!p2 $0x0  }
0x16: {  	s3 =	sld [smem:$0x3FDB];
	s0 =	simm.s32 @p2 $0x1  }
0x17: {  	s4 =	simm.s32 $0x1BF5;
	[smem:$0x3FBB] =	sst s0  }
0x18: {  	s0 =	sld [smem:$0x3F9E];
	_ =	swait.ge [sflag:s4], $0x0  }
0x19: {  	s7 =	sld [smem:$0x3F9F]  }
0x1a: {  	s8 =	sadd.s32 $0xFFFFE003, lr  }
0x1b: {  	s9 =	sadd.s32 $0xFFFFFEF7, lr;
	s5 =	simm.s32 $0xFFFFFFFF;
	p2 =	slt.u32 s8, $0xFFFFF086  }
0x1c: {  	p1 =	slt.u32 s9, $0xF7A;
	s5 =	simm.s32 @!p2 $0x0  }
0x1d: {  	s5 =	simm.s32 @p1 $0x1;
	p0 =	seq.s32 s7, s2  }
0x1e: {  	s7 =	smul.u32 @!p0 $0xF7A, s2;
	p2 =	seq.s32 @!p0 s5, $0x0  }
0x1f: {  	s9 =	smul.u32 $0xF7A, s1;
	s8 =	simm.s32 @!p0 $0x1BF5;
	p2 =	por !p2, p0  }
0x20: {  	[sflag:s8] =	ssyncset.s32 @!p0 $0xFFFFF086;
	s6 =	sadd.s32 @!p0 s3, s7;
	s7 =	simm.s32 @!p0 $0x108  }
0x21: {  	s3 =	sadd.s32 s3, s9;
	s6 =	sadd.s32 @!p0 $0x88, s6;
	s7 =	simm.s32 @p2 $0x1082  }
0x22: {  	[simem:s7], [sflag:s8] =	dma.local @!p0 [hbm:s6], $0xF7A  }
0x23: {  	s9 =	sor.u32 $0xD0000000, s2;
	s6 =	simm.s32 $0x108;
	_ =	swait.ge @!p0 [sflag:s8], $0x0  }
0x24: {  	s3 =	sadd.s32 $0x88, s3;
	s6 =	simm.s32 @!p1 $0x1082;
	[sflag:s4] =	ssyncset.s32 $0xFFFFF086  }
0x25: {  	[simem:s6], [sflag:s4] =	dma.local [hbm:s3], $0xF7A  }
0x26: {  	[smem:$0x3F9F] =	sst s1;
	(tag) =	ssettag s2;
	_ =	strace s9  }
0x27: {  	s1 =	sld [smem:$0x3FAF]  }
0x28: {  	s2 =	sld [smem:$0x3FB0]  }
0x29: {  	s4 =	sld [smem:$0x3FB2]  }
0x2a: {  	p0 =	seq.s32 s5, $0x0;
	s5 =	sld [smem:$0x3FB3]  }
0x2b: {  	s6 =	sld [smem:$0x3FB4]  }
0x2c: {  	s7 =	sld [smem:$0x3FB5]  }
0x2d: {  	s3 =	simm.s32 $0x108;
	s8 =	sld [smem:$0x3FB6]  }
0x2e: {  	s3 =	simm.s32 @!p0 $0x1082;
	s9 =	sld [smem:$0x3FB7]  }
0x2f: {  	lr =	sadd.s32 s0, s3;
	s0 =	sld [smem:$0x3FAE]  }
0x30: {  	s3 =	sld [smem:$0x3FB1]  }
0x31: {  	[smem:$0x3FBA] =	sst s10  }
0x32: {  	s10 =	sld [smem:$0x3FB8];
	_ =	sdelay $0x3  }
0x33: {  	p0 =	seq.s32 s10, $0x1;
	s10 =	sld [smem:$0x3FBA];
	_ =	sdelay $0x3  }
0x34: {  	[smem:$0x3FBA] =	sst s10  }
0x35: {  	s10 =	sld [smem:$0x3FB9];
	_ =	sdelay $0x3  }
0x36: {  	p1 =	seq.s32 s10, $0x1;
	s10 =	sld [smem:$0x3FBA];
	_ =	sdelay $0x3  }
0x37: {  	[smem:$0x3FBA] =	sst s10  }
0x38: {  	s10 =	sld [smem:$0x3FBB]  }
0x39: {  	_ = 	snop;
	(pc) =	sbr.ind lr, $3  }
0x3a: {  	_ = 	snop  }
0x3b: {  	_ = 	snop  }
0x3c: {  	p2 =	seq.s32 s10, $0x1;
	s10 =	sld [smem:$0x3FBA]  }
0x3d: {  	_ =	shalt  }
0x3e: {  	_ =	shalt  }
0x3f: {  	_ =	shalt  }
0x40: {  	_ =	shalt  }
0x41: {  	_ =	shalt  }
0x42: {  	_ =	shalt  }
0x43: {  	_ =	shalt  }
0x44: {  	_ =	shalt  }
0x45: {  	_ =	shalt  }
0x46: {  	_ =	shalt  }
0x47: {  	_ =	shalt  }
0x48: {  	_ =	shalt  }
0x49: {  	_ =	shalt  }
0x4a: {  	_ =	shalt  }
0x4b: {  	_ =	shalt  }
0x4c: {  	_ =	shalt  }
0x4d: {  	_ =	shalt  }
0x4e: {  	_ =	shalt  }
0x4f: {  	_ =	shalt  }
0x50: {  	_ =	shalt  }
0x51: {  	_ =	shalt  }
0x52: {  	_ =	shalt  }
0x53: {  	_ =	shalt  }
0x54: {  	_ =	shalt  }
0x55: {  	_ =	shalt  }
0x56: {  	_ =	shalt  }
0x57: {  	_ =	shalt  }
0x58: {  	_ =	shalt  }
0x59: {  	_ =	shalt  }
0x5a: {  	_ =	shalt  }
0x5b: {  	_ =	shalt  }
0x5c: {  	_ =	shalt  }
0x5d: {  	_ =	shalt  }
0x5e: {  	_ =	shalt  }
0x5f: {  	_ =	shalt  }
0x60: {  	_ =	shalt  }
0x61: {  	_ =	shalt  }
0x62: {  	_ =	shalt  }
0x63: {  	_ =	shalt  }
0x64: {  	_ =	shalt  }
0x65: {  	_ =	shalt  }
0x66: {  	_ =	shalt  }
0x67: {  	_ =	shalt  }
0x68: {  	_ =	shalt  }
0x69: {  	_ =	shalt  }
0x6a: {  	_ =	shalt  }
0x6b: {  	_ =	shalt  }
0x6c: {  	_ =	shalt  }
0x6d: {  	_ =	shalt  }
0x6e: {  	_ =	shalt  }
0x6f: {  	_ =	shalt  }
0x70: {  	_ =	shalt  }
0x71: {  	_ =	shalt  }
0x72: {  	_ =	shalt  }
0x73: {  	_ =	shalt  }
0x74: {  	_ =	shalt  }
0x75: {  	_ =	shalt  }
0x76: {  	_ =	shalt  }
0x77: {  	_ =	shalt  }
0x78: {  	_ =	shalt  }
0x79: {  	_ =	shalt  }
0x7a: {  	_ =	shalt  }
0x7b: {  	_ =	shalt  }
0x7c: {  	_ =	shalt  }
0x7d: {  	_ =	shalt  }
0x7e: {  	_ =	shalt  }
0x7f: {  	_ =	shalt  }
0x80: {  	_ =	shalt  }
0x81: {  	_ =	shalt  }
0x82: {  	_ =	shalt  }
0x83: {  	_ =	shalt  }
0x84: {  	_ =	shalt  }
0x85: {  	_ =	shalt  }
0x86: {  	_ =	shalt  }
0x87: {  	_ =	shalt  }
.Lfunc_end0:
.L_simem_size_0:
called_computation.1_lowered:
.L_overlay_start_0:
0x88: {  	s2 =	sld [smem:$0x3FD9]  }
0x89: {  	s3 =	sld [smem:$0x3FFE];
	_ =	sdelay $0x1  }
0x8a: {  	s1 =	srdreg.scid  }
0x8b: {  	s0 =	sand.u32 $0x1, s1  }
0x8c: {  	s17 =	sshll.u32 s0, $0xA;
	s2 =	sadd.s32 s3, s2  }
0x8d: {  	s2 =	sadd.s32 s2, s17  }
0x8e: {  	[smem:$0x3FC6] =	sst s2  }
0x8f: {  	_ = 	snop  }
0x90: {  	s2 =	sld [smem:$0x3FD0];
	(tm) =	ssettm $0x1  }
0x91: {  	s18 =	sld [smem:$0x3FFB];
	_ =	sdelay $0x3  }
0x92: {  	_ =	strace s18  }
0x93: {  	s3 =	sld [smem:$0x3FFC];
	_ =	sdelay $0x3  }
0x94: {  	_ =	strace s3  }
0x95: {  	s3 =	sld [smem:$0x3FFD];
	_ =	sdelay $0x3  }
0x96: {  	_ =	strace s3  }
0x97: {  	_ =	strace $0x8FFFFFFF  }
0x98: {  	s19 =	sld [smem:$0x3FDB];
	_ =	sdelay $0x1  }
0x99: {  	s4 =	simm.s32 $_scs_section_size  }
0x9a: {  	s5 =	simm.s32 $_size__tile_overlayer_lowered;
	s6 =	simm.s32 $_tile_overlayer_lowered  }
0x9b: {  	s22 =	simm.s32 $0x1BFF;
	s21 =	sshll.u32 s6, $0x1;
	s3 =	sadd.s32 s4, s19  }
0x9c: {  	s7 =	simm.s32 $0x0;
	s20 =	sshll.u32 s5, $0x1;
	s5 =	sadd.s32 s21, s3  }
0x9d: {  	[timem:s7], [sflag:s22] =	dma.local [hbm:s5], s20  }
0x9e: {  	_ =	swait.ge [sflag:s22], s20  }
0x9f: {  	s4 =	ssub.s32 $0x0, s20;
	[sflag:s22] =	ssyncset.done $0x0  }
0xa0: {  	[sflag:s22] =	ssyncadd.s32 s4;
	_ =	sdelay $0x1  }
0xa1: {  	s23 =	simm.s32 $0x1B8B  }
0xa2: {  	_ =	swait.ge [sflag:s23], $0x1  }
0xa3: {  	[sflag:s23] =	ssyncset.done $0x0  }
0xa4: {  	s25 =	simm.s32 $0x1B8E;
	s24 =	sld [smem:$0x3FFE];
	[sflag:s23] =	ssyncadd.s32 $0xFFFFFFFF  }
0xa5: {  	s26 =	simm.s32 $execute0_lowered;
	[smem:$0x3FD2] =	sst s25  }
0xa6: {  	s5 =	sshll.u32 s26, $0x1;
	_ =	strace $0x80000046;
	[dreg:$0x1] =	wrdreg $0xFFFFFFFF  }
0xa7: {  	s28 =	simm.s32 $_size_execute0_lowered;
	s3 =	sadd.s32 s3, s5;
	[dreg:$0x0] =	wrdreg $0x0  }
0xa8: {  	s5 =	sshll.u32 s28, $0x1;
	[dreg:$0x2] =	wrdreg s3  }
0xa9: {  	[dreg:$0x3] =	wrdreg s5  }
0xaa: {  	[dreg:$0x4] =	wrdreg $0xC0  }
0xab: {  	_ =	task [dreg:s7], $0x5FFFF  }
0xac: {  	[dreg:$0x1] =	wrdreg $0xFFFFFFFF  }
0xad: {  	[dreg:$0x0] =	wrdreg $0x60  }
0xae: {  	[dreg:$0x2] =	wrdreg s24  }
0xaf: {  	[dreg:$0x3] =	wrdreg s2  }
0xb0: {  	[dreg:$0x4] =	wrdreg $0x9  }
0xb1: {  	_ =	task.clear_ibuf [dreg:s7], $0x5FFFF;
	_ =	strace $0x90000046  }
0xb2: {  	s29 =	simm.s32 $0x9;
	_ =	strace $0x80000048  }
0xb3: {  	_ =	swait.ge [sflag:s29], $0x1  }
0xb4: {  	[sflag:s29] =	ssyncadd.s32 $0xFFFFFFFF  }
0xb5: {  	_ =	strace $0x90000048  }
0xb6: {  	_ =	sfence  }
0xb7: {  	s30 =	sld [smem:$0x0];
	_ =	sdelay $0x2  }
0xb8: {  	s31 =	sshll.u32 s1, $0xD;
	s1 =	sshrl.u32 s1, $0x2  }
0xb9: {  	s3 =	sand.u32 $0x4000, s31;
	s1 =	sadd.s32 s1, s30  }
0xba: {  	s0 =	sor.u32 s3, s0;
	s1 =	sshll.u32 s1, $0x11  }
0xbb: {  	s0 =	sor.u32 s1, s0  }
0xbc: {  	s0 =	sadd.s32 $0x8F2B, s0  }
0xbd: {  	[sflag:s0] =	ssyncadd.remote.s32 $0x1  }
0xbe: {  	_ =	sfence.sel $0xFFFF  }
0xbf: {  	[dreg:$0x0] =	wrdreg $0xFFFFFFFF;
	(pc) =	sbr.abs _section_cstart, $3  }
0xc0: {  	[dreg:$0x1] =	wrdreg $0xFFFFFFFF  }
0xc1: {  	_ =	task.clear_ibuf [dreg:s7], $0x2FFFF;
	_ =	strace $0x9FFFFFFF  }
0xc2: {  	(tm) =	ssettm $0x7FFFFFFF  }
0xc3: {  	_ =	shalt  }
tec
execute0_lowered:
.L_overlay_start_1:
0x0: {  	(tag) =	ssettag $0x1  }
0x1: {  	s0 =	srdreg.scid;
	s1 =	rddreg [dreg:$0x0]  }
0x2: {  	s6 =	stileid.u32;
	s4 =	rddreg [dreg:$0x1]  }
0x3: {  	s11 =	simm.s32 $0x80;
	s30 =	simm.s32 $0x6400;
	s15 =	simm.s32 $0x7400  }
0x4: {  	s16 =	simm.s32 $0xC400;
	s31 =	simm.s32 $0x1;
	s14 =	simm.s32 $0x13400  }
0x5: {  	s28 =	simm.s32 $0x16400;
	s29 =	simm.s32 $0x17400;
	s10 =	simm.s32 $0x8  }
0x6: {  	s0 =	sand.u32 $0x1, s0;
	s2 =	sshll.u32 s6, $0x1;
	s6 =	smul.u32 $0xC800, s6  }
0x7: {  	s12 =	simm.s32 $0x0;
	s5 =	sor.u32 s0, s2;
	s7 =	smul.u32 $0x6400, s0  }
0x8: {  	s2 =	simm.s32 $0x0;
	s0 =	ssub.s32 $0x2, s0;
	s3 =	smul.u32 $0xC80, s5  }
0x9: {  	[smem:$0x7FF] =	sst s2;
	s17 =	sshrl.u32 s0, $0x1;
	s9 =	smul.u32 $0x19000, s5  }
0xa: {  	s18 =	smul.u32 $0xC8000, s5;
	_ =	strace $0x80000047;
	s6 =	sadd.s32 s7, s6  }
0xb: {  	s0 =	ssub.s32 s0, s17;
	s17 =	simm.s32 $0x8400;
	s7 =	simm.s32 $0x5  }
0xc: {  	s8 =	sadd.s32 s3, s1;
	s3 =	sadd.s32 $0xF43000, s1;
	s19 =	sshll.u32 s6, $0x2  }
0xd: {  	s21 =	sadd.s32 s4, s9;
	s1 =	sshrl.u32 s18, $0x3;
	s0 =	smax.u32 s0, $0x1  }
0xe: {  	s18 =	simm.s32 $0x15400;
	s9 =	simm.s32 $0x7;
	[dreg:$0x8] =	wrdreg s21  }
0xf: {  	s20 =	sadd.s32 $0xA00, s8;
	s5 =	sadd.s32 s4, s19;
	[dreg:$0xc] =	wrdreg s0  }
0x10: {  	s6 =	sadd.s32 $0xA00, s21;
	s1 =	sadd.s32 s4, s1;
	[dreg:$0x7] =	wrdreg s20  }
0x11: {  	s19 =	simm.s32 $0x9400;
	[dreg:$0x9] =	wrdreg s6;
	s22 =	sadd.s32 $0x1E00, s5  }
0x12: {  	s21 =	simm.s32 $0xB400;
	s24 =	sadd.s32 $0x17C00, s1;
	[dreg:$0x3] =	wrdreg s22  }
0x13: {  	s0 =	simm.s32 $0x10400;
	s23 =	sadd.s32 $0x1400, s5;
	[dreg:$0xa] =	wrdreg s24  }
0x14: {  	s4 =	simm.s32 $0x14400;
	s1 =	sadd.s32 $0x18600, s1;
	[dreg:$0x4] =	wrdreg s23  }
0x15: {  	s8 =	simm.s32 $0x4;
	s25 =	sadd.s32 $0x2800, s5;
	[dreg:$0xb] =	wrdreg s1  }
0x16: {  	s26 =	sadd.s32 $0x3200, s5;
	s20 =	simm.s32 $0xD400;
	[dreg:$0x5] =	wrdreg s25  }
0x17: {  	s6 =	simm.s32 $0x3;
	s5 =	simm.s32 $0x6;
	[dreg:$0x6] =	wrdreg s26  }
0x18: {  	s23 =	simm.s32 $0xA400;
	s24 =	simm.s32 $0xE400;
	s25 =	simm.s32 $0xF400  }
0x19: {  	s26 =	simm.s32 $0x11400;
	s22 =	simm.s32 $0x12400;
	s1 =	simm.s32 $0x2  }
.LBB2_1:
0x1a: {  	s13 =	rddreg [dreg:$0x7]  }
0x1b: {  	[tilespmem:s2], [sflag:$0x9] =	stream.linear.gather [hbm4b:s13+s2], $0x6400, $0x38;
	[tilespmem:$0x1A400] =	vst v63  }
0x1c: {  	[dreg:$0xd] =	wrdreg s12;
	s13 =	simm.s32 $0x9  }
0x1d: {  	_ =	swait.ge [sflag:s13], $0x6400  }
0x1e: {  	[sflag:s13] =	ssyncset.done $0x0  }
0x1f: {  	[sflag:s13] =	ssyncadd.s32 $0xFFFF9C00  }
0x20: {  	[tilespmem:s30], [sflag:$0x1] =	stream.indirect.gather [hbm4b:s3+s11], $0x20, s2, s11, $0xb8;
	[tilespmem:$0x1A400] =	vst v63  }
0x21: {  	_ = 	snop  }
0x22: {  	[tilespmem:s15], [sflag:$0x1] =	stream.indirect.gather [hbm4b:s3+s11], $0x20, s11, s11, $0xb8;
	[tilespmem:$0x1A400] =	vst v63  }
0x23: {  	s13 =	simm.s32 $0x100  }
0x24: {  	[tilespmem:s17], [sflag:$0x1] =	stream.indirect.gather [hbm4b:s3+s11], $0x20, s13, s11, $0xb8;
	[tilespmem:$0x1A400] =	vst v63  }
0x25: {  	s13 =	simm.s32 $0x180  }
0x26: {  	[tilespmem:s19], [sflag:$0x1] =	stream.indirect.gather [hbm4b:s3+s11], $0x20, s13, s11, $0xb8;
	[tilespmem:$0x1A400] =	vst v63  }
0x27: {  	s13 =	simm.s32 $0x200  }
0x28: {  	[tilespmem:s23], [sflag:$0x1] =	stream.indirect.gather [hbm4b:s3+s11], $0x20, s13, s11, $0xb8;
	[tilespmem:$0x1A400] =	vst v63  }
0x29: {  	s13 =	simm.s32 $0x280  }
0x2a: {  	[tilespmem:s21], [sflag:$0x2] =	stream.indirect.gather [hbm4b:s3+s11], $0x20, s13, s11, $0xb8;
	[tilespmem:$0x1A400] =	vst v63  }
0x2b: {  	s13 =	simm.s32 $0x300  }
0x2c: {  	[tilespmem:s16], [sflag:$0x2] =	stream.indirect.gather [hbm4b:s3+s11], $0x20, s13, s11, $0xb8;
	[tilespmem:$0x1A400] =	vst v63  }
0x2d: {  	s13 =	simm.s32 $0x380  }
0x2e: {  	[tilespmem:s20], [sflag:$0x2] =	stream.indirect.gather [hbm4b:s3+s11], $0x20, s13, s11, $0xb8;
	[tilespmem:$0x1A400] =	vst v63  }
0x2f: {  	s13 =	simm.s32 $0x400  }
0x30: {  	[tilespmem:s24], [sflag:$0x2] =	stream.indirect.gather [hbm4b:s3+s11], $0x20, s13, s11, $0xb8;
	[tilespmem:$0x1A400] =	vst v63  }
0x31: {  	s13 =	simm.s32 $0x480  }
0x32: {  	[tilespmem:s25], [sflag:$0x2] =	stream.indirect.gather [hbm4b:s3+s11], $0x20, s13, s11, $0xb8;
	[tilespmem:$0x1A400] =	vst v63  }
0x33: {  	_ =	swait.ge [sflag:s31], $0x5000  }
0x34: {  	[sflag:s31] =	ssyncset.done $0x0  }
0x35: {  	s13 =	rddreg [dreg:$0x8];
	[sflag:s31] =	ssyncadd.s32 $0xFFFFB000  }
0x36: {  	[hbm4b:s13+s2] =	stream.linear.scatter [tilespmem:s30], [sflag:$0x5], $0x5000, $0x38;
	[tilespmem:$0x1A400] =	vst v63  }
0x37: {  	s13 =	simm.s32 $0x500  }
0x38: {  	[tilespmem:s0], [sflag:$0x3] =	stream.indirect.gather [hbm4b:s3+s11], $0x20, s13, s11, $0xb8;
	[tilespmem:$0x1A400] =	vst v63  }
0x39: {  	s13 =	simm.s32 $0x580  }
0x3a: {  	[tilespmem:s26], [sflag:$0x3] =	stream.indirect.gather [hbm4b:s3+s11], $0x20, s13, s11, $0xb8;
	[tilespmem:$0x1A400] =	vst v63  }
0x3b: {  	s13 =	simm.s32 $0x600  }
0x3c: {  	[tilespmem:s22], [sflag:$0x3] =	stream.indirect.gather [hbm4b:s3+s11], $0x20, s13, s11, $0xb8;
	[tilespmem:$0x1A400] =	vst v63  }
0x3d: {  	s13 =	simm.s32 $0x680  }
0x3e: {  	[tilespmem:s14], [sflag:$0x3] =	stream.indirect.gather [hbm4b:s3+s11], $0x20, s13, s11, $0xb8;
	[tilespmem:$0x1A400] =	vst v63  }
0x3f: {  	s13 =	simm.s32 $0x700  }
0x40: {  	[tilespmem:s4], [sflag:$0x3] =	stream.indirect.gather [hbm4b:s3+s11], $0x20, s13, s11, $0xb8;
	[tilespmem:$0x1A400] =	vst v63  }
0x41: {  	_ =	swait.ge [sflag:s1], $0x5000  }
0x42: {  	[sflag:s1] =	ssyncset.done $0x0  }
0x43: {  	s13 =	rddreg [dreg:$0x9];
	[sflag:s1] =	ssyncadd.s32 $0xFFFFB000  }
0x44: {  	[hbm4b:s13+s2] =	stream.linear.scatter [tilespmem:s21], [sflag:$0x6], $0x5000, $0x38;
	[tilespmem:$0x1A400] =	vst v63  }
0x45: {  	s13 =	simm.s32 $0x780  }
0x46: {  	[tilespmem:s18], [sflag:$0x4] =	stream.indirect.gather [hbm4b:s3+s11], $0x20, s13, s11, $0xb8;
	[tilespmem:$0x1A400] =	vst v63  }
0x47: {  	s13 =	simm.s32 $0x800  }
0x48: {  	[tilespmem:s28], [sflag:$0x4] =	stream.indirect.gather [hbm4b:s3+s11], $0x20, s13, s11, $0xb8;
	[tilespmem:$0x1A400] =	vst v63  }
0x49: {  	s13 =	simm.s32 $0x880  }
0x4a: {  	[tilespmem:s29], [sflag:$0x4] =	stream.indirect.gather [hbm4b:s3+s11], $0x20, s13, s11, $0xb8;
	[tilespmem:$0x1A400] =	vst v63  }
0x4b: {  	s12 =	simm.s32 $0x18400;
	s13 =	simm.s32 $0x900  }
0x4c: {  	[tilespmem:s12], [sflag:$0x4] =	stream.indirect.gather [hbm4b:s3+s11], $0x20, s13, s11, $0xb8;
	[tilespmem:$0x1A400] =	vst v63  }
0x4d: {  	s13 =	simm.s32 $0x19400;
	s12 =	simm.s32 $0x980  }
0x4e: {  	[tilespmem:s13], [sflag:$0x4] =	stream.indirect.gather [hbm4b:s3+s11], $0x20, s12, s11, $0xb8;
	[tilespmem:$0x1A400] =	vst v63  }
0x4f: {  	_ =	swait.ge [sflag:s6], $0x5000  }
0x50: {  	s12 =	rddreg [dreg:$0x4];
	[sflag:s6] =	ssyncset.done $0x0  }
0x51: {  	[sflag:s6] =	ssyncadd.s32 $0xFFFFB000;
	s13 =	sadd.s32 $0x0, s12  }
0x52: {  	[hbm4b:s13+s2] =	stream.linear.scatter [tilespmem:s0], [sflag:$0x7], $0x5000, $0x38;
	[tilespmem:$0x1A400] =	vst v63  }
0x53: {  	_ =	swait.ge [sflag:s7], $0x5000  }
0x54: {  	[sflag:s7] =	ssyncset.done $0x0  }
0x55: {  	s12 =	simm.s32 $0xA00;
	[sflag:s7] =	ssyncadd.s32 $0xFFFFB000  }
0x56: {  	[tilespmem:s30], [sflag:$0x1] =	stream.indirect.gather [hbm4b:s3+s11], $0x20, s12, s11, $0xb8;
	[tilespmem:$0x1A400] =	vst v63  }
0x57: {  	s12 =	simm.s32 $0xA80  }
0x58: {  	[tilespmem:s15], [sflag:$0x1] =	stream.indirect.gather [hbm4b:s3+s11], $0x20, s12, s11, $0xb8;
	[tilespmem:$0x1A400] =	vst v63  }
0x59: {  	s15 =	simm.s32 $0xB00  }
0x5a: {  	[tilespmem:s17], [sflag:$0x1] =	stream.indirect.gather [hbm4b:s3+s11], $0x20, s15, s11, $0xb8;
	[tilespmem:$0x1A400] =	vst v63  }
0x5b: {  	s17 =	simm.s32 $0xB80  }
0x5c: {  	[tilespmem:s19], [sflag:$0x1] =	stream.indirect.gather [hbm4b:s3+s11], $0x20, s17, s11, $0xb8;
	[tilespmem:$0x1A400] =	vst v63  }
0x5d: {  	s19 =	simm.s32 $0xC00  }
0x5e: {  	[tilespmem:s23], [sflag:$0x1] =	stream.indirect.gather [hbm4b:s3+s11], $0x20, s19, s11, $0xb8;
	[tilespmem:$0x1A400] =	vst v63  }
0x5f: {  	_ =	swait.ge [sflag:s8], $0x5000  }
0x60: {  	s12 =	rddreg [dreg:$0x3];
	[sflag:s8] =	ssyncset.done $0x0  }
0x61: {  	[sflag:s8] =	ssyncadd.s32 $0xFFFFB000;
	s13 =	sadd.s32 $0x0, s12  }
0x62: {  	[hbm4b:s13+s2] =	stream.linear.scatter [tilespmem:s18], [sflag:$0x8], $0x5000, $0x38;
	[tilespmem:$0x1A400] =	vst v63  }
0x63: {  	_ =	swait.ge [sflag:s5], $0x5000  }
0x64: {  	[sflag:s5] =	ssyncset.done $0x0  }
0x65: {  	s15 =	simm.s32 $0xC80;
	[sflag:s5] =	ssyncadd.s32 $0xFFFFB000  }
0x66: {  	[tilespmem:s21], [sflag:$0x2] =	stream.indirect.gather [hbm4b:s3+s11], $0x20, s15, s11, $0xb8;
	[tilespmem:$0x1A400] =	vst v63  }
0x67: {  	s17 =	simm.s32 $0xD00  }
0x68: {  	[tilespmem:s16], [sflag:$0x2] =	stream.indirect.gather [hbm4b:s3+s11], $0x20, s17, s11, $0xb8;
	[tilespmem:$0x1A400] =	vst v63  }
0x69: {  	s19 =	simm.s32 $0xD80  }
0x6a: {  	[tilespmem:s20], [sflag:$0x2] =	stream.indirect.gather [hbm4b:s3+s11], $0x20, s19, s11, $0xb8;
	[tilespmem:$0x1A400] =	vst v63  }
0x6b: {  	s23 =	simm.s32 $0xE00  }
0x6c: {  	[tilespmem:s24], [sflag:$0x2] =	stream.indirect.gather [hbm4b:s3+s11], $0x20, s23, s11, $0xb8;
	[tilespmem:$0x1A400] =	vst v63  }
0x6d: {  	s24 =	simm.s32 $0xE80  }
0x6e: {  	[tilespmem:s25], [sflag:$0x2] =	stream.indirect.gather [hbm4b:s3+s11], $0x20, s24, s11, $0xb8;
	[tilespmem:$0x1A400] =	vst v63  }
0x6f: {  	_ =	swait.ge [sflag:s31], $0x5000  }
0x70: {  	s25 =	rddreg [dreg:$0x5];
	[sflag:s31] =	ssyncset.done $0x0  }
0x71: {  	[sflag:s31] =	ssyncadd.s32 $0xFFFFB000;
	s13 =	sadd.s32 $0x0, s25  }
0x72: {  	[hbm4b:s13+s2] =	stream.linear.scatter [tilespmem:s30], [sflag:$0x5], $0x5000, $0x38;
	[tilespmem:$0x1A400] =	vst v63  }
0x73: {  	_ =	swait.ge [sflag:s9], $0x5000  }
0x74: {  	[sflag:s9] =	ssyncset.done $0x0  }
0x75: {  	s12 =	simm.s32 $0xF00;
	[sflag:s9] =	ssyncadd.s32 $0xFFFFB000  }
0x76: {  	[tilespmem:s0], [sflag:$0x3] =	stream.indirect.gather [hbm4b:s3+s11], $0x20, s12, s11, $0xb8;
	[tilespmem:$0x1A400] =	vst v63  }
0x77: {  	s15 =	simm.s32 $0xF80  }
0x78: {  	[tilespmem:s26], [sflag:$0x3] =	stream.indirect.gather [hbm4b:s3+s11], $0x20, s15, s11, $0xb8;
	[tilespmem:$0x1A400] =	vst v63  }
0x79: {  	s16 =	simm.s32 $0x1000  }
0x7a: {  	[tilespmem:s22], [sflag:$0x3] =	stream.indirect.gather [hbm4b:s3+s11], $0x20, s16, s11, $0xb8;
	[tilespmem:$0x1A400] =	vst v63  }
0x7b: {  	s17 =	simm.s32 $0x1080  }
0x7c: {  	[tilespmem:s14], [sflag:$0x3] =	stream.indirect.gather [hbm4b:s3+s11], $0x20, s17, s11, $0xb8;
	[tilespmem:$0x1A400] =	vst v63  }
0x7d: {  	s19 =	simm.s32 $0x1100  }
0x7e: {  	[tilespmem:s4], [sflag:$0x3] =	stream.indirect.gather [hbm4b:s3+s11], $0x20, s19, s11, $0xb8;
	[tilespmem:$0x1A400] =	vst v63  }
0x7f: {  	_ =	swait.ge [sflag:s1], $0x5000  }
0x80: {  	s20 =	rddreg [dreg:$0x6];
	[sflag:s1] =	ssyncset.done $0x0  }
0x81: {  	s23 =	simm.s32 $0x1200;
	[sflag:s1] =	ssyncadd.s32 $0xFFFFB000;
	s13 =	sadd.s32 $0x0, s20  }
0x82: {  	[hbm4b:s13+s2] =	stream.linear.scatter [tilespmem:s21], [sflag:$0x6], $0x5000, $0x38;
	[tilespmem:$0x1A400] =	vst v63  }
0x83: {  	s24 =	simm.s32 $0x1280;
	s25 =	simm.s32 $0x1300;
	_ =	swait.ge [sflag:s10], $0x5000  }
0x84: {  	s30 =	simm.s32 $0x16400;
	s12 =	simm.s32 $0x18400;
	[sflag:s10] =	ssyncset.done $0x0  }
0x85: {  	s26 =	simm.s32 $0x18400;
	s22 =	simm.s32 $0x1180;
	[sflag:s10] =	ssyncadd.s32 $0xFFFFB000  }
0x86: {  	[tilespmem:s18], [sflag:$0x4] =	stream.indirect.gather [hbm4b:s3+s11], $0x20, s22, s11, $0xb8;
	[tilespmem:$0x1A400] =	vst v63  }
0x87: {  	s15 =	simm.s32 $0x1380;
	s16 =	simm.s32 $0x6400;
	s14 =	simm.s32 $0x13400  }
0x88: {  	[tilespmem:s28], [sflag:$0x4] =	stream.indirect.gather [hbm4b:s3+s11], $0x20, s23, s11, $0xb8;
	[tilespmem:$0x1A400] =	vst v63  }
0x89: {  	s4 =	simm.s32 $0x14400;
	s20 =	simm.s32 $0xD400;
	s13 =	simm.s32 $0x2800  }
0x8a: {  	[tilespmem:s29], [sflag:$0x4] =	stream.indirect.gather [hbm4b:s3+s11], $0x20, s24, s11, $0xb8;
	[tilespmem:$0x1A400] =	vst v63  }
0x8b: {  	s22 =	simm.s32 $0x12400;
	s23 =	simm.s32 $0x17400;
	s28 =	simm.s32 $0x9400  }
0x8c: {  	[tilespmem:s26], [sflag:$0x4] =	stream.indirect.gather [hbm4b:s3+s11], $0x20, s25, s11, $0xb8;
	[tilespmem:$0x1A400] =	vst v63  }
0x8d: {  	s24 =	simm.s32 $0xE400;
	s29 =	simm.s32 $0xF400;
	s26 =	simm.s32 $0x11400  }
.LBB2_2:
0x8e: {  	s17 =	simm.s32 $0x19400  }
0x8f: {  	[tilespmem:s17], [sflag:$0x4] =	stream.indirect.gather [hbm4b:s3+s11], $0x20, s15, s11, $0xb8;
	[tilespmem:$0x1A400] =	vst v63  }
0x90: {  	_ =	swait.ge [sflag:s6], $0x5000  }
0x91: {  	s17 =	smov.u32 s13;
	s19 =	rddreg [dreg:$0x4];
	[sflag:s6] =	ssyncset.done $0x0  }
0x92: {  	[sflag:s6] =	ssyncadd.s32 $0xFFFFB000;
	s15 =	sadd.s32 s17, s19  }
0x93: {  	[hbm4b:s15+s2] =	stream.linear.scatter [tilespmem:s0], [sflag:$0x7], $0x5000, $0x38;
	[tilespmem:$0x1A400] =	vst v63  }
0x94: {  	_ =	swait.ge [sflag:s7], $0x5000  }
0x95: {  	s15 =	sshra.s32 s17, $0x2;
	[sflag:s7] =	ssyncset.done $0x0  }
0x96: {  	s19 =	sadd.s32 $0xA00, s15;
	[sflag:s7] =	ssyncadd.s32 $0xFFFFB000  }
0x97: {  	[tilespmem:s16], [sflag:$0x1] =	stream.indirect.gather [hbm4b:s3+s11], $0x20, s19, s11, $0xb8;
	[tilespmem:$0x1A400] =	vst v63  }
0x98: {  	s25 =	simm.s32 $0x7400;
	s19 =	sadd.s32 $0xA80, s15  }
0x99: {  	[tilespmem:s25], [sflag:$0x1] =	stream.indirect.gather [hbm4b:s3+s11], $0x20, s19, s11, $0xb8;
	[tilespmem:$0x1A400] =	vst v63  }
0x9a: {  	s19 =	sadd.s32 $0xB00, s15;
	s25 =	simm.s32 $0x8400  }
0x9b: {  	[tilespmem:s25], [sflag:$0x1] =	stream.indirect.gather [hbm4b:s3+s11], $0x20, s19, s11, $0xb8;
	[tilespmem:$0x1A400] =	vst v63  }
0x9c: {  	s25 =	sadd.s32 $0xB80, s15  }
0x9d: {  	[tilespmem:s28], [sflag:$0x1] =	stream.indirect.gather [hbm4b:s3+s11], $0x20, s25, s11, $0xb8;
	[tilespmem:$0x1A400] =	vst v63  }
0x9e: {  	s19 =	sadd.s32 $0xC00, s15;
	s25 =	simm.s32 $0xA400  }
0x9f: {  	[tilespmem:s25], [sflag:$0x1] =	stream.indirect.gather [hbm4b:s3+s11], $0x20, s19, s11, $0xb8;
	[tilespmem:$0x1A400] =	vst v63  }
0xa0: {  	_ =	swait.ge [sflag:s8], $0x5000  }
0xa1: {  	s25 =	rddreg [dreg:$0x3];
	[sflag:s8] =	ssyncset.done $0x0  }
0xa2: {  	[sflag:s8] =	ssyncadd.s32 $0xFFFFB000;
	s19 =	sadd.s32 s17, s25  }
0xa3: {  	[hbm4b:s19+s2] =	stream.linear.scatter [tilespmem:s18], [sflag:$0x8], $0x5000, $0x38;
	[tilespmem:$0x1A400] =	vst v63  }
0xa4: {  	_ =	swait.ge [sflag:s5], $0x5000  }
0xa5: {  	[sflag:s5] =	ssyncset.done $0x0  }
0xa6: {  	s25 =	sadd.s32 $0xC80, s15;
	[sflag:s5] =	ssyncadd.s32 $0xFFFFB000  }
0xa7: {  	[tilespmem:s21], [sflag:$0x2] =	stream.indirect.gather [hbm4b:s3+s11], $0x20, s25, s11, $0xb8;
	[tilespmem:$0x1A400] =	vst v63  }
0xa8: {  	s19 =	sadd.s32 $0xD00, s15;
	s25 =	simm.s32 $0xC400  }
0xa9: {  	[tilespmem:s25], [sflag:$0x2] =	stream.indirect.gather [hbm4b:s3+s11], $0x20, s19, s11, $0xb8;
	[tilespmem:$0x1A400] =	vst v63  }
0xaa: {  	s25 =	sadd.s32 $0xD80, s15  }
0xab: {  	[tilespmem:s20], [sflag:$0x2] =	stream.indirect.gather [hbm4b:s3+s11], $0x20, s25, s11, $0xb8;
	[tilespmem:$0x1A400] =	vst v63  }
0xac: {  	s25 =	sadd.s32 $0xE00, s15  }
0xad: {  	[tilespmem:s24], [sflag:$0x2] =	stream.indirect.gather [hbm4b:s3+s11], $0x20, s25, s11, $0xb8;
	[tilespmem:$0x1A400] =	vst v63  }
0xae: {  	s25 =	sadd.s32 $0xE80, s15  }
0xaf: {  	[tilespmem:s29], [sflag:$0x2] =	stream.indirect.gather [hbm4b:s3+s11], $0x20, s25, s11, $0xb8;
	[tilespmem:$0x1A400] =	vst v63  }
0xb0: {  	_ =	swait.ge [sflag:s31], $0x5000  }
0xb1: {  	s25 =	rddreg [dreg:$0x5];
	[sflag:s31] =	ssyncset.done $0x0  }
0xb2: {  	[sflag:s31] =	ssyncadd.s32 $0xFFFFB000;
	s19 =	sadd.s32 s17, s25  }
0xb3: {  	[hbm4b:s19+s2] =	stream.linear.scatter [tilespmem:s16], [sflag:$0x5], $0x5000, $0x38;
	[tilespmem:$0x1A400] =	vst v63  }
0xb4: {  	_ =	swait.ge [sflag:s9], $0x5000  }
0xb5: {  	[sflag:s9] =	ssyncset.done $0x0  }
0xb6: {  	s25 =	sadd.s32 $0xF00, s15;
	[sflag:s9] =	ssyncadd.s32 $0xFFFFB000  }
0xb7: {  	[tilespmem:s0], [sflag:$0x3] =	stream.indirect.gather [hbm4b:s3+s11], $0x20, s25, s11, $0xb8;
	[tilespmem:$0x1A400] =	vst v63  }
0xb8: {  	s25 =	sadd.s32 $0xF80, s15  }
0xb9: {  	[tilespmem:s26], [sflag:$0x3] =	stream.indirect.gather [hbm4b:s3+s11], $0x20, s25, s11, $0xb8;
	[tilespmem:$0x1A400] =	vst v63  }
0xba: {  	s25 =	sadd.s32 $0x1000, s15  }
0xbb: {  	[tilespmem:s22], [sflag:$0x3] =	stream.indirect.gather [hbm4b:s3+s11], $0x20, s25, s11, $0xb8;
	[tilespmem:$0x1A400] =	vst v63  }
0xbc: {  	s25 =	sadd.s32 $0x1080, s15  }
0xbd: {  	[tilespmem:s14], [sflag:$0x3] =	stream.indirect.gather [hbm4b:s3+s11], $0x20, s25, s11, $0xb8;
	[tilespmem:$0x1A400] =	vst v63  }
0xbe: {  	s25 =	sadd.s32 $0x1100, s15  }
0xbf: {  	[tilespmem:s4], [sflag:$0x3] =	stream.indirect.gather [hbm4b:s3+s11], $0x20, s25, s11, $0xb8;
	[tilespmem:$0x1A400] =	vst v63  }
0xc0: {  	_ =	swait.ge [sflag:s1], $0x5000  }
0xc1: {  	s25 =	rddreg [dreg:$0x6];
	[sflag:s1] =	ssyncset.done $0x0  }
0xc2: {  	[sflag:s1] =	ssyncadd.s32 $0xFFFFB000;
	s17 =	sadd.s32 s17, s25  }
0xc3: {  	[hbm4b:s17+s2] =	stream.linear.scatter [tilespmem:s21], [sflag:$0x6], $0x5000, $0x38;
	[tilespmem:$0x1A400] =	vst v63  }
0xc4: {  	_ =	swait.ge [sflag:s10], $0x5000  }
0xc5: {  	[sflag:s10] =	ssyncset.done $0x0  }
0xc6: {  	s19 =	sadd.s32 $0x1180, s15;
	[sflag:s10] =	ssyncadd.s32 $0xFFFFB000  }
0xc7: {  	[tilespmem:s18], [sflag:$0x4] =	stream.indirect.gather [hbm4b:s3+s11], $0x20, s19, s11, $0xb8;
	[tilespmem:$0x1A400] =	vst v63  }
0xc8: {  	p0 =	sne.s32 s13, $0x14000;
	s25 =	sadd.s32 $0x1200, s15  }
0xc9: {  	[tilespmem:s30], [sflag:$0x4] =	stream.indirect.gather [hbm4b:s3+s11], $0x20, s25, s11, $0xb8;
	[tilespmem:$0x1A400] =	vst v63  }
.Ltmp0:
0xca: {  	_ = 	snop;
	(pc) =	sbr.rel @p0 .LBB2_2-.Ltmp0, $4  }
0xcb: {  	s19 =	sadd.s32 $0x1280, s15  }
0xcc: {  	[tilespmem:s23], [sflag:$0x4] =	stream.indirect.gather [hbm4b:s3+s11], $0x20, s19, s11, $0xb8;
	[tilespmem:$0x1A400] =	vst v63  }
0xcd: {  	s13 =	sadd.s32 $0x2800, s13;
	s25 =	sadd.s32 $0x1300, s15;
	s15 =	sadd.s32 $0x1380, s15  }
0xce: {  	[tilespmem:s12], [sflag:$0x4] =	stream.indirect.gather [hbm4b:s3+s11], $0x20, s25, s11, $0xb8;
	[tilespmem:$0x1A400] =	vst v63  }
0xcf: {  	s4 =	simm.s32 $0x19400  }
0xd0: {  	[tilespmem:s4], [sflag:$0x4] =	stream.indirect.gather [hbm4b:s3+s11], $0x20, s15, s11, $0xb8;
	[tilespmem:$0x1A400] =	vst v63  }
0xd1: {  	_ =	swait.ge [sflag:s6], $0x5000  }
0xd2: {  	[sflag:s6] =	ssyncset.done $0x0  }
0xd3: {  	s13 =	rddreg [dreg:$0xa];
	[sflag:s6] =	ssyncadd.s32 $0xFFFFB000  }
0xd4: {  	[hbm4b:s13+s2] =	stream.linear.scatter [tilespmem:s0], [sflag:$0x7], $0x5000, $0x38;
	[tilespmem:$0x1A400] =	vst v63  }
0xd5: {  	_ =	swait.ge [sflag:s8], $0x5000  }
0xd6: {  	[sflag:s8] =	ssyncset.done $0x0  }
0xd7: {  	s25 =	rddreg [dreg:$0xb];
	[sflag:s8] =	ssyncadd.s32 $0xFFFFB000  }
0xd8: {  	[hbm4b:s25+s2] =	stream.linear.scatter [tilespmem:s18], [sflag:$0x8], $0x5000, $0x38;
	[tilespmem:$0x1A400] =	vst v63  }
0xd9: {  	_ =	swait.ge [sflag:s7], $0x5000  }
0xda: {  	[sflag:s7] =	ssyncset.done $0x0  }
0xdb: {  	[sflag:s7] =	ssyncadd.s32 $0xFFFFB000  }
0xdc: {  	_ =	swait.ge [sflag:s5], $0x5000  }
0xdd: {  	[sflag:s5] =	ssyncset.done $0x0  }
0xde: {  	[sflag:s5] =	ssyncadd.s32 $0xFFFFB000  }
0xdf: {  	_ =	swait.ge [sflag:s9], $0x5000  }
0xe0: {  	[sflag:s9] =	ssyncset.done $0x0  }
0xe1: {  	[sflag:s9] =	ssyncadd.s32 $0xFFFFB000  }
0xe2: {  	_ =	swait.ge [sflag:s10], $0x5000  }
0xe3: {  	s12 =	rddreg [dreg:$0xd]  }
0xe4: {  	s17 =	simm.s32 $0x8400;
	s26 =	rddreg [dreg:$0xc];
	s12 =	sadd.s32 $0x1, s12  }
0xe5: {  	s19 =	simm.s32 $0x9400;
	s23 =	simm.s32 $0xA400;
	p0 =	sne.s32 s12, s26  }
.Ltmp1:
0xe6: {  	s16 =	simm.s32 $0xC400;
	s20 =	simm.s32 $0xD400;
	(pc) =	sbr.rel @p0 .LBB2_1-.Ltmp1, $4  }
0xe7: {  	s24 =	simm.s32 $0xE400;
	s22 =	simm.s32 $0x12400;
	s14 =	simm.s32 $0x13400  }
0xe8: {  	s28 =	simm.s32 $0x16400;
	s29 =	simm.s32 $0x17400;
	s30 =	simm.s32 $0x6400  }
0xe9: {  	s15 =	simm.s32 $0x7400;
	s4 =	simm.s32 $0x14400;
	[sflag:s10] =	ssyncset.done $0x0  }
0xea: {  	s25 =	simm.s32 $0xF400;
	[sflag:s10] =	ssyncadd.s32 $0xFFFFB000;
	s26 =	simm.s32 $0x11400  }
0xeb: {  	_ =	sfence.sel $0x180000  }
0xec: {  	[bflag:$0x0] =	sbarrier.arrive $0xFFFF  }
0xed: {  	_ =	strace $0x90000047  }
0xee: {  	s0 =	stileid.u32;
	[bflag:$0x2] =	sbarrier.arrive $0xFFFF  }
0xef: {  	p0 =	sne.s32 s0, $0x0;
	s0 =	rddreg [dreg:$0x2]  }
0xf0: {  	s0 =	sadd.s32 @!p0 $0x100000, s0  }
0xf1: {  	[sflag:s0] =	ssyncadd.tile.s32 @!p0 $0x1;
	_ =	shalt  }
.Lfunc_end2:
_tile_overlayer_lowered:
.L_overlay_start_2:
0xf2: {  	(tag) =	ssettag $0x2  }
0xf3: {  	s0 =	rddreg [dreg:$0x0];
	s2 =	stileid.u32  }
0xf4: {  	s1 =	rddreg [dreg:$0x1];
	p0 =	sne.s32 s2, $0x0  }
0xf5: {  	s3 =	rddreg [dreg:$0x2];
	[bflag:$0x3] =	sbarrier.arrive $0xFFFF;
	s2 =	simm.s32 @!p0 $0x1C09  }
0xf6: {  	[timem:s3], [sflag:s2] =	dma.local @!p0 [hbm:s0], s1  }
0xf7: {  	s0 =	simm.s32 @!p0 $0x9  }
0xf8: {  	_ =	swait.ge @!p0 [sflag:s0], s1  }
0xf9: {  	s1 =	ssub.s32 @!p0 $0x0, s1;
	[sflag:s0] =	ssyncset.done @!p0 $0x0  }
0xfa: {  	[sflag:s0] =	ssyncadd.s32 @!p0 s1  }
0xfb: {  	[bflag:$0x3] =	sbarrier.arrive $0xFFFF  }
0xfc: {  	_ =	shalt  }

// kernel: sparse-core-data-format-call.cloned.1.call-start
scs
called_computation_lowered:
.L_overlay_start_0:
0x0: {  	s2 =	sld [smem:$0x3FD9]  }
0x1: {  	s3 =	sld [smem:$0x3FFE];
	_ =	sdelay $0x1  }
0x2: {  	s1 =	srdreg.scid  }
0x3: {  	s0 =	sand.u32 $0x1, s1  }
0x4: {  	s18 =	sshll.u32 s0, $0xA;
	s2 =	sadd.s32 s3, s2  }
0x5: {  	s2 =	sadd.s32 s2, s18  }
0x6: {  	[smem:$0x3FC6] =	sst s2  }
0x7: {  	_ = 	snop  }
0x8: {  	s2 =	sld [smem:$0x3FD0];
	(tm) =	ssettm $0x1  }
0x9: {  	s19 =	sld [smem:$0x3FFB];
	_ =	sdelay $0x3  }
0xa: {  	_ =	strace s19  }
0xb: {  	s3 =	sld [smem:$0x3FFC];
	_ =	sdelay $0x3  }
0xc: {  	_ =	strace s3  }
0xd: {  	s3 =	sld [smem:$0x3FFD];
	_ =	sdelay $0x3  }
0xe: {  	_ =	strace s3  }
0xf: {  	_ =	strace $0x8FFFFFFF  }
0x10: {  	s20 =	sld [smem:$0x3FDB];
	_ =	sdelay $0x1  }
0x11: {  	s4 =	simm.s32 $_scs_section_size  }
0x12: {  	s5 =	simm.s32 $_size__tile_overlayer_lowered;
	s6 =	simm.s32 $_tile_overlayer_lowered  }
0x13: {  	s23 =	simm.s32 $0x1BFF;
	s22 =	sshll.u32 s6, $0x1;
	s3 =	sadd.s32 s4, s20  }
0x14: {  	s7 =	simm.s32 $0x0;
	s21 =	sshll.u32 s5, $0x1;
	s5 =	sadd.s32 s22, s3  }
0x15: {  	[timem:s7], [sflag:s23] =	dma.local [hbm:s5], s21  }
0x16: {  	_ =	swait.ge [sflag:s23], s21  }
0x17: {  	s4 =	ssub.s32 $0x0, s21;
	[sflag:s23] =	ssyncset.done $0x0  }
0x18: {  	[sflag:s23] =	ssyncadd.s32 s4;
	_ =	sdelay $0x1  }
0x19: {  	s24 =	simm.s32 $0x1B8B  }
0x1a: {  	_ =	swait.ge [sflag:s24], $0x1  }
0x1b: {  	[sflag:s24] =	ssyncset.done $0x0  }
0x1c: {  	s26 =	simm.s32 $0x1B8E;
	s25 =	sld [smem:$0x3FFE];
	[sflag:s24] =	ssyncadd.s32 $0xFFFFFFFF  }
0x1d: {  	s27 =	simm.s32 $execute0_lowered;
	[smem:$0x3FD2] =	sst s26  }
0x1e: {  	s5 =	sshll.u32 s27, $0x1;
	_ =	strace $0x80000049;
	[dreg:$0x1] =	wrdreg $0xFFFFFFFF  }
0x1f: {  	s28 =	simm.s32 $_size_execute0_lowered;
	s3 =	sadd.s32 s3, s5;
	[dreg:$0x0] =	wrdreg $0x0  }
0x20: {  	s5 =	sshll.u32 s28, $0x1;
	[dreg:$0x2] =	wrdreg s3  }
0x21: {  	[dreg:$0x3] =	wrdreg s5  }
0x22: {  	[dreg:$0x4] =	wrdreg $0xC0  }
0x23: {  	_ =	task [dreg:s7], $0x5FFFF  }
0x24: {  	[dreg:$0x1] =	wrdreg $0xFFFFFFFF  }
0x25: {  	[dreg:$0x0] =	wrdreg $0x60  }
0x26: {  	[dreg:$0x2] =	wrdreg s25  }
0x27: {  	[dreg:$0x3] =	wrdreg s2  }
0x28: {  	[dreg:$0x4] =	wrdreg $0x9  }
0x29: {  	_ =	task.clear_ibuf [dreg:s7], $0x5FFFF;
	_ =	strace $0x90000049  }
0x2a: {  	s29 =	simm.s32 $0x9;
	_ =	strace $0x8000004B  }
0x2b: {  	_ =	swait.ge [sflag:s29], $0x1  }
0x2c: {  	[sflag:s29] =	ssyncadd.s32 $0xFFFFFFFF  }
0x2d: {  	_ =	strace $0x9000004B  }
0x2e: {  	_ =	sfence  }
0x2f: {  	s30 =	sld [smem:$0x0];
	_ =	sdelay $0x2  }
0x30: {  	s31 =	sshll.u32 s1, $0xD;
	s1 =	sshrl.u32 s1, $0x2  }
0x31: {  	s3 =	sand.u32 $0x4000, s31;
	s1 =	sadd.s32 s1, s30  }
0x32: {  	s0 =	sor.u32 s3, s0;
	s1 =	sshll.u32 s1, $0x11  }
0x33: {  	s0 =	sor.u32 s1, s0  }
0x34: {  	s0 =	sadd.s32 $0x8F2B, s0  }
0x35: {  	[sflag:s0] =	ssyncadd.remote.s32 $0x1  }
0x36: {  	_ =	sfence.sel $0xFFFF  }
0x37: {  	[dreg:$0x0] =	wrdreg $0xFFFFFFFF;
	(pc) =	sbr.abs _section_cstart, $3  }
0x38: {  	[dreg:$0x1] =	wrdreg $0xFFFFFFFF  }
0x39: {  	_ =	task.clear_ibuf [dreg:s7], $0x2FFFF;
	_ =	strace $0x9FFFFFFF  }
0x3a: {  	(tm) =	ssettm $0x7FFFFFFF  }
0x3b: {  	_ =	shalt  }
tec
execute0_lowered:
.L_overlay_start_1:
0x0: {  	(tag) =	ssettag $0x1  }
0x1: {  	s0 =	srdreg.scid  }
0x2: {  	s1 =	sshll.u32 s0, $0x4  }
0x3: {  	s0 =	stileid.u32;
	s1 =	sand.u32 $0x10, s1  }
0x4: {  	s1 =	sor.u32 s0, s1  }
0x5: {  	s6 =	rddreg [dreg:$0x0];
	s4 =	simm.s32 $0x1;
	s2 =	sshll.u32 s1, $0x7  }
0x6: {  	s7 =	simm.s32 $0x2;
	s12 =	simm.s32 $0x0;
	s1 =	ssub.s32 $0x1000, s2  }
0x7: {  	s8 =	simm.s32 $0x8000;
	s13 =	simm.s32 $0x0;
	s3 =	sand.u32 $0xF80, s1  }
0x8: {  	s9 =	simm.s32 $0x0;
	s5 =	sshrl.u32 s1, $0xC;
	p0 =	sne.s32 s3, $0x0  }
.Ltmp0:
0x9: {  	s1 =	rddreg [dreg:$0x2];
	s4 =	simm.s32 @!p0 $0x0;
	(pc) =	sbr.rel .LBB1_1-.Ltmp0, $4  }
0xa: {  	s11 =	simm.s32 $0x0;
	s3 =	rddreg [dreg:$0x1];
	s5 =	sadd.s32 s4, s5  }
0xb: {  	_ =	strace $0x8000004A;
	s4 =	simm.s32 $0x1;
	s5 =	smul.u32 $0xC8, s5  }
0xc: {  	s6 =	sadd.s32 $0xA00, s6;
	s10 =	smov.u32 s2;
	[sflag:s4] =	ssyncpa.u1 $0x0  }
0xd: {  	p0 =	por $0x0, $0x0;
	[sflag:s7] =	ssyncpa.u1 $0x0;
	s7 =	sor.u32 $0x1, s5  }
.LBB1_4:
0xe: {  	s16 =	sshll.u32 s13, $0x3;
	s17 =	sand.u32 $0x78, s13  }
0xf: {  	s30 =	sand.u32 $0x3E00, s13;
	s12 =	sshll.u32 s12, $0xE;
	s16 =	sand.u32 $0xC00, s16  }
0x10: {  	s31 =	sand.u32 $0x7, s13;
	s16 =	sor.u32 s17, s16;
	s17 =	sadd.s32 s3, s30  }
0x11: {  	s13 =	sshll.u32 s31, $0x12;
	s16 =	sshrl.u32 s16, $0x3;
	s12 =	sadd.s32 s12, s17  }
0x12: {  	[tilespmem:s15+$0x0 ss:$0x81] =	vst.msk $0xffff, v0;
	s13 =	sor.u32 $0x400, s13;
	s12 =	sadd.s32 s16, s12  }
0x13: {  	[hbm4b:s12+s13] =	stream.strided.scatter [tilespmem:s14], [sflag:$0x2], $0x1000, s8, s13, $0x20;
	[tilespmem:$0x4040] =	vst v63  }
.LBB1_5:
0x14: {  	s14 =	sadd.s32 $0x1, s9  }
0x15: {  	s12 =	sadd.s32 $0x1000, s10;
	s16 =	smov.u32 s10;
	p2 =	sgt.s32 s14, $0xC7  }
0x16: {  	s16 =	smov.u32 @p2 s12  }
0x17: {  	s14 =	simm.s32 @p2 $0x0;
	p2 =	sgt.s32 s16, $0xFFF  }
0x18: {  	s16 =	smov.u32 @p2 s2;
	p2 =	sne.s32 s11, s7  }
.Ltmp1:
0x19: {  	p1 =	slt.u32 s11, $0x2;
	(pc) =	sbr.rel @!p2 .LBB1_6-.Ltmp1, $4  }
0x1a: {  	s15 =	simm.s32 @!p1 $0x2  }
0x1b: {  	s13 =	smov.u32 s10;
	p0 =	por !p0, !p0;
	_ =	swait.ge @!p1 [sflag:s15], $0x1000  }
0x1c: {  	s12 =	smov.u32 s9;
	[sflag:s15] =	ssyncset.done @!p1 $0x0;
	s9 =	smov.u32 s14  }
0x1d: {  	s11 =	sadd.s32 $0x1, s11;
	[sflag:s15] =	ssyncadd.s32 @!p1 $0xFFFFF000;
	s10 =	smov.u32 s16  }
.LBB1_1:
0x1e: {  	p1 =	sge.u32 s11, s5  }
0x1f: {  	s14 =	sand.u32 @!p1 $0x1FFFFFF, s9  }
0x20: {  	s15 =	smulhi.u32 @!p1 $0x147AE15, s14;
	_ =	sdelay $0x1  }
0x21: {  	s15 =	smul.u32 @!p1 $0xC8, s15  }
0x22: {  	s16 =	sxor.u32 @!p1 $0xFFFFFFFF, s11;
	s17 =	smul.u32 @!p1 $0xC80, s10  }
0x23: {  	s31 =	sadd.s32 $0xFFFFFFFF, s11;
	s16 =	sshll.u32 @!p1 s16, $0xC;
	s14 =	ssub.s32 @!p1 s14, s15  }
0x24: {  	s15 =	sand.u32 @!p1 $0x1000, s16;
	s16 =	sadd.s32 @!p1 s6, s17;
	s14 =	sshll.u32 @!p1 s14, $0x4  }
0x25: {  	s17 =	simm.s32 @!p1 $0x6400;
	s14 =	sadd.s32 @!p1 s14, s16;
	s16 =	simm.s32 @!p1 $0x20  }
0x26: {  	[tilespmem:s15], [sflag:$0x1] =	stream.strided.gather @!p1 [hbm4b:s14+s16], $0x1000, s17, s16, $0x38;
	[tilespmem:$0x4040] =	vst v63  }
0x27: {  	p1 =	sge.u32 s31, s5  }
.Ltmp2:
0x28: {  	_ = 	snop;
	(pc) =	sbr.rel @p1 .LBB1_5-.Ltmp2, $1  }
0x29: {  	_ =	sdelay $0x3  }
0x2a: {  	s14 =	simm.s32 $0x1  }
0x2b: {  	_ =	swait.ge [sflag:s4], $0x1000;
	s14 =	simm.s32 @!p0 $0x0  }
0x2c: {  	[sflag:s4] =	ssyncset.done $0x0;
	s15 =	sshll.u32 s14, $0xC  }
0x2d: {  	[sflag:s4] =	ssyncadd.s32 $0xFFFFF000;
	s18 =	sor.u32 $0x10, s15  }
0x2e: {  	s14 =	smul.u32 $0x4080, s14;
	v1 =	vld [tilespmem:s18+$0x0]  }
0x2f: {  	s30 =	sand.u32 $0x1, s11;
	v0 =	vld [tilespmem:s18+$0xFFFFFFF0]  }
0x30: {  	s15 =	smul.u32 $0x4080, s30;
	s14 =	sshrl.u32 s14, $0x2  }
0x31: {  	s16 =	sor.u32 $0x2000, s14  }
0x32: {  	s31 =	sshrl.u32 s15, $0x2;
	s15 =	sadd.s32 $0x0, s16  }
0x33: {  	s17 =	simm.s32 $0x4;
	s18 =	sadd.s32 $0x20, s18;
	s14 =	sor.u32 $0x2000, s31;
	[tilespmem:s15+$0x810 ss:$0x81] =	vst.msk $0xffff, v1  }
.LBB1_3:
0x34: {  	v1 =	vld [tilespmem:s18+$0x0];
	p1 =	sne.s32 s17, $0x1FC;
	[tilespmem:s15+$0x0 ss:$0x81] =	vst.msk $0xffff, v0;
	s15 =	smov.u32 s17;
	s17 =	sadd.s32 $0x4, s17  }
.Ltmp3:
0x35: {  	v0 =	vld [tilespmem:s18+$0xFFFFFFF0];
	(pc) =	sbr.rel @p1 .LBB1_3-.Ltmp3, $4  }
0x36: {  	_ = 	snop  }
0x37: {  	s15 =	sshra.s32 s15, $0x2  }
0x38: {  	s15 =	sadd.s32 s15, s16  }
0x39: {  	s18 =	sadd.s32 $0x20, s18;
	[tilespmem:s15+$0x810 ss:$0x81] =	vst.msk $0xffff, v1  }
.Ltmp4:
0x3a: {  	_ = 	snop;
	(pc) =	sbr.rel .LBB1_4-.Ltmp4, $1  }
0x3b: {  	_ =	sdelay $0x3  }
.LBB1_6:
0x3c: {  	_ =	sfence.sel $0x180000  }
0x3d: {  	s2 =	simm.s32 $0x1;
	[bflag:$0x0] =	sbarrier.arrive $0xFFFF  }
0x3e: {  	s31 =	simm.s32 $0x2;
	[sflag:s2] =	ssyncpa.u1 $0x1  }
0x3f: {  	[sflag:s31] =	ssyncpa.u1 $0x1  }
0x40: {  	p0 =	sne.s32 s0, $0x0;
	_ =	strace $0x9000004A  }
0x41: {  	s0 =	sadd.s32 @!p0 $0x100000, s1;
	[bflag:$0x2] =	sbarrier.arrive $0xFFFF  }
0x42: {  	[sflag:s0] =	ssyncadd.tile.s32 @!p0 $0x1;
	_ =	shalt  }
.Lfunc_end1:
_tile_overlayer_lowered:
.L_overlay_start_2:
0x43: {  	(tag) =	ssettag $0x2  }
0x44: {  	s0 =	rddreg [dreg:$0x0];
	s2 =	stileid.u32  }
0x45: {  	s1 =	rddreg [dreg:$0x1];
	p0 =	sne.s32 s2, $0x0  }
0x46: {  	s3 =	rddreg [dreg:$0x2];
	[bflag:$0x3] =	sbarrier.arrive $0xFFFF;
	s2 =	simm.s32 @!p0 $0x1C01  }
0x47: {  	[timem:s3], [sflag:s2] =	dma.local @!p0 [hbm:s0], s1  }
0x48: {  	s0 =	simm.s32 @!p0 $0x1  }
0x49: {  	_ =	swait.ge @!p0 [sflag:s0], s1  }
0x4a: {  	s1 =	ssub.s32 @!p0 $0x0, s1;
	[sflag:s0] =	ssyncset.done @!p0 $0x0  }
0x4b: {  	[sflag:s0] =	ssyncadd.s32 @!p0 s1  }
0x4c: {  	[bflag:$0x3] =	sbarrier.arrive $0xFFFF  }
0x4d: {  	_ =	shalt  }

</sc_bundles>
